<compile_context>
chip_gen: v7x
topology: tpu7x:2x2x1
jax: 0.10.2.dev20260603
libtpu: 0.0.44.dev20260713+nightly
codegen_flags: <defaults>
</compile_context>

<pallas_src>
import functools

import jax
import jax.numpy as jnp
from jax import lax
from jax.experimental import pallas as pl
from jax.experimental.pallas import tpu as pltpu
from jax.experimental.pallas import tpu_sc as plsc

B = 16
C = 256
HW = 1024
NE = 8192
NT = 8
TN = NE // NT
NPOS = B * HW
COMMITMENT_COST = 0.25

NC = 2
NS = 16
L = 16
NW = NC * NS
BPW = NPOS // NW
CH = 128
NCH = BPW // CH


def _argmin_body(x_ref, w_ref, idx_ref, acc_ref):
    b = pl.program_id(0)
    x = x_ref[0]
    xsq = jnp.sum(x * x, axis=0, keepdims=True)
    best_val = jnp.full((1, HW), jnp.inf, jnp.float32)
    best_idx = jnp.zeros((1, HW), jnp.int32)
    for j in range(NT):
        w = w_ref[pl.ds(j * TN, TN), :]
        wsq = jnp.sum(w * w, axis=1, keepdims=True)
        dot = lax.dot_general(w.astype(jnp.bfloat16), x.astype(jnp.bfloat16),
                              (((1,), (0,)), ((), ())),
                              preferred_element_type=jnp.float32)
        scores = (xsq + wsq) - 2.0 * dot
        m = jnp.min(scores, axis=0, keepdims=True)
        iota = lax.broadcasted_iota(jnp.int32, (TN, HW), 0)
        cand = jnp.where(scores == m, iota, NE)
        mi = jnp.min(cand, axis=0, keepdims=True) + j * TN
        upd = m < best_val
        best_idx = jnp.where(upd, mi, best_idx)
        best_val = jnp.where(upd, m, best_val).astype(jnp.bfloat16).astype(jnp.float32)
    idx_ref[0] = best_idx

    @pl.when(b == 0)
    def _():
        acc_ref[...] = jnp.zeros((1, 1), jnp.float32)

    acc_ref[...] += jnp.sum(best_val, keepdims=True)


def _gather_hist_body(w_hbm, idx_hbm, out_hbm, cnt_hbm,
                      idx_v, rows_v, ones_v, zer_v, cnt_sh, sem):
    c = lax.axis_index("c")
    s = lax.axis_index("s")
    wid = s * NC + c

    pltpu.sync_copy(idx_hbm.at[pl.ds(wid * NCH, NCH)], idx_v)

    for t in range(CH // L):
        ones_v[pl.ds(t * L, L)] = jnp.full((L,), 1.0, jnp.float32)

    @pl.when(s == 0)
    def _():
        def zbody(i, carry):
            zer_v[pl.ds(i * L, L)] = jnp.zeros((L,), jnp.float32)
            return carry
        lax.fori_loop(0, NE // L, zbody, 0)
        pltpu.sync_copy(zer_v, cnt_sh)

    plsc.subcore_barrier()

    for j in range(NCH):
        pltpu.async_copy(w_hbm.at[idx_v.at[j]], rows_v, sem).wait()
        pltpu.sync_copy(rows_v, out_hbm.at[pl.ds(wid * BPW + j * CH, CH)])
        pltpu.sync_copy(ones_v, cnt_sh.at[idx_v.at[j]], add=True)

    plsc.subcore_barrier()

    @pl.when(s == 0)
    def _():
        pltpu.sync_copy(cnt_sh, cnt_hbm.at[c])


def _finalize_body(acc_ref, cnt_ref, loss_ref, plex_ref):
    counts = cnt_ref[0:1, :] + cnt_ref[1:2, :]
    p = counts * (1.0 / NPOS)
    ent = jnp.sum(p * jnp.log(p + 1e-10), keepdims=True)
    plex_ref[...] = jnp.exp(-ent)
    loss_ref[...] = COMMITMENT_COST * (acc_ref[...] / (NPOS * C))


def _run_argmin(xr, weight):
    return pl.pallas_call(
        _argmin_body,
        grid=(B,),
        in_specs=[
            pl.BlockSpec((1, C, HW), lambda b: (b, 0, 0)),
            pl.BlockSpec((NE, C), lambda b: (0, 0)),
        ],
        out_specs=[
            pl.BlockSpec((1, 1, HW), lambda b: (b, 0, 0)),
            pl.BlockSpec((1, 1), lambda b: (0, 0)),
        ],
        out_shape=[
            jax.ShapeDtypeStruct((B, 1, HW), jnp.int32),
            jax.ShapeDtypeStruct((1, 1), jnp.float32),
        ],
        compiler_params=pltpu.CompilerParams(
            dimension_semantics=("arbitrary",)),
    )(xr, weight)


@functools.cache
def _make_gather_hist():
    return pl.kernel(
        _gather_hist_body,
        out_type=[
            jax.ShapeDtypeStruct((NPOS, C), jnp.float32),
            jax.ShapeDtypeStruct((NC, NE), jnp.float32),
        ],
        mesh=plsc.VectorSubcoreMesh(core_axis_name="c", subcore_axis_name="s",
                                    num_cores=NC, num_subcores=NS),
        scratch_types=[
            pltpu.VMEM((NCH, CH), jnp.int32),
            pltpu.VMEM((CH, C), jnp.float32),
            pltpu.VMEM((CH,), jnp.float32),
            pltpu.VMEM((NE,), jnp.float32),
            pltpu.VMEM_SHARED((NE,), jnp.float32),
            pltpu.SemaphoreType.DMA,
        ],
    )


def _run_finalize(acc, counts):
    return pl.pallas_call(
        _finalize_body,
        out_shape=[
            jax.ShapeDtypeStruct((1, 1), jnp.float32),
            jax.ShapeDtypeStruct((1, 1), jnp.float32),
        ],
    )(acc, counts)


def kernel(inputs, weight):
    xr = inputs.reshape(B, C, HW)
    idx3, acc = _run_argmin(xr, weight)
    idx2 = idx3.reshape(NW * NCH, CH)
    quant, counts = _make_gather_hist()(weight, idx2)
    loss, plex = _run_finalize(acc, counts)
    q = quant.reshape(B, 32, 32, C).transpose(0, 3, 1, 2)
    idx_out = idx3.reshape(B, 32, 32)
    return loss.reshape(()), q, plex.reshape(()), idx_out

# --- scband reference (transcript-rebuilt; emitter-appended) ---
"""Pipeline reference for scband-vector-quantizer-ema-4776003633796 (READ-ONLY COPY).

The authoritative reference and input builder live on the scoring server;
editing this copy changes nothing except your own understanding.
"""

import jax, jax.numpy as jnp
import numpy as np

NUM_EMBEDDINGS = 8192
EMBEDDING_DIM = 256
COMMITMENT_COST = 0.25


def setup_inputs(seed: int = 0) -> dict:
    key = jax.random.key(seed)
    k1, k2 = jax.random.split(key)
    inputs = jax.random.normal(k1, (16, 256, 32, 32), dtype=jnp.float32)
    weight = jax.random.normal(k2, (NUM_EMBEDDINGS, EMBEDDING_DIM), dtype=jnp.float32)
    return {"inputs": inputs, "weight": weight}


def reference(inputs, weight):
    # eval-mode forward (no EMA buffer mutation)
    x = jnp.transpose(inputs, (0, 2, 3, 1))  # BCHW -> BHWC
    input_shape = x.shape
    b, h, w, c = input_shape
    flat_input = x.reshape(-1, EMBEDDING_DIM)
    distances = (
        jnp.sum(flat_input ** 2, axis=1, keepdims=True)
        + jnp.sum(weight ** 2, axis=1)
        - 2.0 * jnp.matmul(flat_input, weight.T)
    )
    encoding_indices = jnp.argmin(distances, axis=1)
    encodings = jax.nn.one_hot(encoding_indices, NUM_EMBEDDINGS, dtype=jnp.float32)
    quantized = jnp.matmul(encodings, weight).reshape(input_shape)
    e_latent_loss = jnp.mean((jax.lax.stop_gradient(quantized) - x) ** 2)
    loss = COMMITMENT_COST * e_latent_loss
    quantized_st = x + jax.lax.stop_gradient(quantized - x)
    avg_probs = jnp.mean(encodings, axis=0)
    perplexity = jnp.exp(-jnp.sum(avg_probs * jnp.log(avg_probs + 1e-10)))
    idx_out = encoding_indices.reshape(b, h, w)
    return (
        loss,
        jnp.transpose(quantized_st, (0, 3, 1, 2)),
        perplexity,
        idx_out,
    )

if __name__ == "__main__":
    import jax
    _d = setup_inputs()
    print(jax.jit(kernel)(*tuple(_d.values())))

</pallas_src>

<mosaic_0001>
#map = affine_map<(d0, d1) -> (0, 0)>
module attributes {stable_mosaic.version = 14 : i64} {
  func.func @_gather_hist_body(%arg0: i32, %arg1: i32, %arg2: memref<8192x256xf32, #tpu.memory_space<hbm>>, %arg3: memref<128x128xi32, #tpu.memory_space<hbm>>, %arg4: memref<16384x256xf32, #tpu.memory_space<hbm>>, %arg5: memref<2x8192xf32, #tpu.memory_space<hbm>>, %arg6: memref<4x128xi32, #tpu.memory_space<vmem>>, %arg7: memref<128x256xf32, #tpu.memory_space<vmem>>, %arg8: memref<128xf32, #tpu.memory_space<vmem>>, %arg9: memref<8192xf32, #tpu.memory_space<vmem>>, %arg10: memref<8192xf32, #tpu.memory_space<vmem_shared>>, %arg11: memref<!tpu.dma_semaphore, #tpu.memory_space<semaphore_mem>>) attributes {dimension_semantics = [#tpu.dimension_semantics<core_parallel>, #tpu.dimension_semantics<subcore_parallel>], iteration_bounds = array<i64: 2, 16>, scalar_prefetch = 0 : i64, scratch_operands = 6 : i64, tpu.core_type = #tpu.core_type<sc_vector_subcore>, window_params = [{transform_indices = #map}, {transform_indices = #map}, {transform_indices = #map}, {transform_indices = #map}]} {
    %mul3A = arith.constant 2 : i32
    %mul3A_0 = arith.muli %arg1, %mul3A : i32
    %add3A = arith.addi %mul3A_0, %arg0 : i32
    %mul3A_1 = arith.constant 4 : i32
    %mul3A_2 = arith.muli %add3A, %mul3A_1 : i32
    "tpu.region"() ({
      %run_scoped3A_130 = tpu.sem_alloc : memref<!tpu.dma_semaphore, #tpu.memory_space<semaphore_mem>>
      %dma_start3A_131 = arith.constant 0 : i32
      %dma_start3A_132 = tpu.memref_slice %arg3[%mul3A_2, %dma_start3A_131] : memref<128x128xi32, #tpu.memory_space<hbm>> -> memref<4x128xi32, #tpu.memory_space<hbm>>
      %dma_start3A_133 = arith.constant 0 : i32
      %dma_start3A_134 = tpu.memref_slice %arg3[%mul3A_2, %dma_start3A_133] : memref<128x128xi32, #tpu.memory_space<hbm>> -> memref<4x128xi32, #tpu.memory_space<hbm>>
      tpu.enqueue_dma source(%dma_start3A_134 : memref<4x128xi32, #tpu.memory_space<hbm>>) target(%arg6 : memref<4x128xi32, #tpu.memory_space<vmem>>) target_semaphore(%run_scoped3A_130 : memref<!tpu.dma_semaphore, #tpu.memory_space<semaphore_mem>>)
      %dma_wait3A_135 = arith.constant 0 : i32
      %dma_wait3A_136 = tpu.memref_slice %arg3[%mul3A_2, %dma_wait3A_135] : memref<128x128xi32, #tpu.memory_space<hbm>> -> memref<4x128xi32, #tpu.memory_space<hbm>>
      %dma_wait3A_137 = arith.constant 0 : i32
      %dma_wait3A_138 = tpu.memref_slice %arg3[%mul3A_2, %dma_wait3A_137] : memref<128x128xi32, #tpu.memory_space<hbm>> -> memref<4x128xi32, #tpu.memory_space<hbm>>
      tpu.wait_dma2 semaphore(%run_scoped3A_130 : memref<!tpu.dma_semaphore, #tpu.memory_space<semaphore_mem>>) src(%dma_wait3A_138 : memref<4x128xi32, #tpu.memory_space<hbm>>) dst(%arg6 : memref<4x128xi32, #tpu.memory_space<vmem>>)
      tpu.yield
    }) : () -> ()
    %broadcast_in_dim3A = arith.constant 1.000000e+00 : f32
    %broadcast_in_dim3A_3 = vector.broadcast %broadcast_in_dim3A : f32 to vector<16xf32>
    %swap3A = arith.constant 0 : index
    %swap3A_4 = tpu.vector_load %arg8[%swap3A] {strides = array<i32>} : memref<128xf32, #tpu.memory_space<vmem>>, vector<16xf32>,
    %swap3A_5 = vector.shape_cast %swap3A_4 : vector<16xf32> to vector<16xf32>
    %swap3A_6 = vector.shape_cast %broadcast_in_dim3A_3 : vector<16xf32> to vector<16xf32>
    tpu.vector_store %arg8[%swap3A], %swap3A_6 {strides = array<i32>} : memref<128xf32, #tpu.memory_space<vmem>>, vector<16xf32>,
    %broadcast_in_dim3A_7 = arith.constant 1.000000e+00 : f32
    %broadcast_in_dim3A_8 = vector.broadcast %broadcast_in_dim3A_7 : f32 to vector<16xf32>
    %swap3A_9 = arith.constant 16 : index
    %swap3A_10 = tpu.vector_load %arg8[%swap3A_9] {strides = array<i32>} : memref<128xf32, #tpu.memory_space<vmem>>, vector<16xf32>,
    %swap3A_11 = vector.shape_cast %swap3A_10 : vector<16xf32> to vector<16xf32>
    %swap3A_12 = vector.shape_cast %broadcast_in_dim3A_8 : vector<16xf32> to vector<16xf32>
    tpu.vector_store %arg8[%swap3A_9], %swap3A_12 {strides = array<i32>} : memref<128xf32, #tpu.memory_space<vmem>>, vector<16xf32>,
    %broadcast_in_dim3A_13 = arith.constant 1.000000e+00 : f32
    %broadcast_in_dim3A_14 = vector.broadcast %broadcast_in_dim3A_13 : f32 to vector<16xf32>
    %swap3A_15 = arith.constant 32 : index
    %swap3A_16 = tpu.vector_load %arg8[%swap3A_15] {strides = array<i32>} : memref<128xf32, #tpu.memory_space<vmem>>, vector<16xf32>,
    %swap3A_17 = vector.shape_cast %swap3A_16 : vector<16xf32> to vector<16xf32>
    %swap3A_18 = vector.shape_cast %broadcast_in_dim3A_14 : vector<16xf32> to vector<16xf32>
    tpu.vector_store %arg8[%swap3A_15], %swap3A_18 {strides = array<i32>} : memref<128xf32, #tpu.memory_space<vmem>>, vector<16xf32>,
    %broadcast_in_dim3A_19 = arith.constant 1.000000e+00 : f32
    %broadcast_in_dim3A_20 = vector.broadcast %broadcast_in_dim3A_19 : f32 to vector<16xf32>
    %swap3A_21 = arith.constant 48 : index
    %swap3A_22 = tpu.vector_load %arg8[%swap3A_21] {strides = array<i32>} : memref<128xf32, #tpu.memory_space<vmem>>, vector<16xf32>,
    %swap3A_23 = vector.shape_cast %swap3A_22 : vector<16xf32> to vector<16xf32>
    %swap3A_24 = vector.shape_cast %broadcast_in_dim3A_20 : vector<16xf32> to vector<16xf32>
    tpu.vector_store %arg8[%swap3A_21], %swap3A_24 {strides = array<i32>} : memref<128xf32, #tpu.memory_space<vmem>>, vector<16xf32>,
    %broadcast_in_dim3A_25 = arith.constant 1.000000e+00 : f32
    %broadcast_in_dim3A_26 = vector.broadcast %broadcast_in_dim3A_25 : f32 to vector<16xf32>
    %swap3A_27 = arith.constant 64 : index
    %swap3A_28 = tpu.vector_load %arg8[%swap3A_27] {strides = array<i32>} : memref<128xf32, #tpu.memory_space<vmem>>, vector<16xf32>,
    %swap3A_29 = vector.shape_cast %swap3A_28 : vector<16xf32> to vector<16xf32>
    %swap3A_30 = vector.shape_cast %broadcast_in_dim3A_26 : vector<16xf32> to vector<16xf32>
    tpu.vector_store %arg8[%swap3A_27], %swap3A_30 {strides = array<i32>} : memref<128xf32, #tpu.memory_space<vmem>>, vector<16xf32>,
    %broadcast_in_dim3A_31 = arith.constant 1.000000e+00 : f32
    %broadcast_in_dim3A_32 = vector.broadcast %broadcast_in_dim3A_31 : f32 to vector<16xf32>
    %swap3A_33 = arith.constant 80 : index
    %swap3A_34 = tpu.vector_load %arg8[%swap3A_33] {strides = array<i32>} : memref<128xf32, #tpu.memory_space<vmem>>, vector<16xf32>,
    %swap3A_35 = vector.shape_cast %swap3A_34 : vector<16xf32> to vector<16xf32>
    %swap3A_36 = vector.shape_cast %broadcast_in_dim3A_32 : vector<16xf32> to vector<16xf32>
    tpu.vector_store %arg8[%swap3A_33], %swap3A_36 {strides = array<i32>} : memref<128xf32, #tpu.memory_space<vmem>>, vector<16xf32>,
    %broadcast_in_dim3A_37 = arith.constant 1.000000e+00 : f32
    %broadcast_in_dim3A_38 = vector.broadcast %broadcast_in_dim3A_37 : f32 to vector<16xf32>
    %swap3A_39 = arith.constant 96 : index
    %swap3A_40 = tpu.vector_load %arg8[%swap3A_39] {strides = array<i32>} : memref<128xf32, #tpu.memory_space<vmem>>, vector<16xf32>,
    %swap3A_41 = vector.shape_cast %swap3A_40 : vector<16xf32> to vector<16xf32>
    %swap3A_42 = vector.shape_cast %broadcast_in_dim3A_38 : vector<16xf32> to vector<16xf32>
    tpu.vector_store %arg8[%swap3A_39], %swap3A_42 {strides = array<i32>} : memref<128xf32, #tpu.memory_space<vmem>>, vector<16xf32>,
    %broadcast_in_dim3A_43 = arith.constant 1.000000e+00 : f32
    %broadcast_in_dim3A_44 = vector.broadcast %broadcast_in_dim3A_43 : f32 to vector<16xf32>
    %swap3A_45 = arith.constant 112 : index
    %swap3A_46 = tpu.vector_load %arg8[%swap3A_45] {strides = array<i32>} : memref<128xf32, #tpu.memory_space<vmem>>, vector<16xf32>,
    %swap3A_47 = vector.shape_cast %swap3A_46 : vector<16xf32> to vector<16xf32>
    %swap3A_48 = vector.shape_cast %broadcast_in_dim3A_44 : vector<16xf32> to vector<16xf32>
    tpu.vector_store %arg8[%swap3A_45], %swap3A_48 {strides = array<i32>} : memref<128xf32, #tpu.memory_space<vmem>>, vector<16xf32>,
    %eq3A = arith.constant 0 : i32
    %eq3A_49 = arith.cmpi eq, %arg1, %eq3A : i32
    %convert_element_type3A = arith.extui %eq3A_49 : i1 to i32
    %cond3A = arith.constant 0 : i32
    %cond3A_50 = arith.cmpi ne, %convert_element_type3A, %cond3A : i32
    scf.if %cond3A_50 {
      %scan3A = arith.constant 0 : i32
      %scan3A_130 = arith.constant 0 : i32
      %scan3A_131 = arith.constant 512 : i32
      %scan3A_132 = arith.addi %scan3A_130, %scan3A_131 : i32
      %scan3A_133 = arith.constant 1 : i32
      scf.for %scan3A_135 = %scan3A_130 to %scan3A_132 step %scan3A_133  : i32 {
        %broadcast_in_dim3A_136 = arith.constant 0.000000e+00 : f32
        %broadcast_in_dim3A_137 = vector.broadcast %broadcast_in_dim3A_136 : f32 to vector<16xf32>
        %mul3A_138 = arith.constant 16 : i32
        %mul3A_139 = arith.muli %scan3A_135, %mul3A_138 : i32
        %swap3A_140 = arith.index_cast %mul3A_139 : i32 to index
        %swap3A_141 = tpu.vector_load %arg9[%swap3A_140] {strides = array<i32>} : memref<8192xf32, #tpu.memory_space<vmem>>, vector<16xf32>,
        %swap3A_142 = vector.shape_cast %swap3A_141 : vector<16xf32> to vector<16xf32>
        %swap3A_143 = vector.shape_cast %broadcast_in_dim3A_137 : vector<16xf32> to vector<16xf32>
        tpu.vector_store %arg9[%swap3A_140], %swap3A_143 {strides = array<i32>} : memref<8192xf32, #tpu.memory_space<vmem>>, vector<16xf32>,
      }
      %scan3A_134 = arith.constant 512 : i32
      "tpu.region"() ({
        %run_scoped3A_135 = tpu.sem_alloc : memref<!tpu.dma_semaphore, #tpu.memory_space<semaphore_mem>>
        tpu.enqueue_dma source(%arg9 : memref<8192xf32, #tpu.memory_space<vmem>>) target(%arg10 : memref<8192xf32, #tpu.memory_space<vmem_shared>>) target_semaphore(%run_scoped3A_135 : memref<!tpu.dma_semaphore, #tpu.memory_space<semaphore_mem>>)
        tpu.wait_dma2 semaphore(%run_scoped3A_135 : memref<!tpu.dma_semaphore, #tpu.memory_space<semaphore_mem>>) src(%arg9 : memref<8192xf32, #tpu.memory_space<vmem>>) dst(%arg10 : memref<8192xf32, #tpu.memory_space<vmem_shared>>)
        tpu.yield
      }) : () -> ()
    } else {
    }
    %barrier3A = arith.constant 0 : index
    tpu.barrier barrier_id(%barrier3A)
    %dma_start3A = arith.constant 0 : i32
    %dma_start3A_51 = arith.constant 0 : i32
    %dma_start3A_52 = tpu.memref_slice %arg6[%dma_start3A, %dma_start3A_51] : memref<4x128xi32, #tpu.memory_space<vmem>> -> memref<1x128xi32, #tpu.memory_space<vmem>>
    %dma_start3A_53 = tpu.memref_squeeze %dma_start3A_52 : memref<1x128xi32, #tpu.memory_space<vmem>> -> memref<128xi32, #tpu.memory_space<vmem>>
    %dma_start3A_54 = arith.constant 0 : i32
    %dma_start3A_55 = arith.constant 0 : i32
    %dma_start3A_56 = tpu.memref_slice %arg2[%dma_start3A_54, %dma_start3A_55] : memref<8192x256xf32, #tpu.memory_space<hbm>> -> memref<8192x256xf32, #tpu.memory_space<hbm>>
    tpu.enqueue_indirect_dma source(%dma_start3A_56 : memref<8192x256xf32, #tpu.memory_space<hbm>>) target(%arg7 : memref<128x256xf32, #tpu.memory_space<vmem>>) offsets(%dma_start3A_53 : memref<128xi32, #tpu.memory_space<vmem>>) semaphore(%arg11 : memref<!tpu.dma_semaphore, #tpu.memory_space<semaphore_mem>>)
    %dma_wait3A = arith.constant 0 : i32
    %dma_wait3A_57 = arith.constant 0 : i32
    %dma_wait3A_58 = tpu.memref_slice %arg6[%dma_wait3A, %dma_wait3A_57] : memref<4x128xi32, #tpu.memory_space<vmem>> -> memref<1x128xi32, #tpu.memory_space<vmem>>
    %dma_wait3A_59 = tpu.memref_squeeze %dma_wait3A_58 : memref<1x128xi32, #tpu.memory_space<vmem>> -> memref<128xi32, #tpu.memory_space<vmem>>
    %dma_wait3A_60 = arith.constant 0 : i32
    %dma_wait3A_61 = arith.constant 0 : i32
    %dma_wait3A_62 = tpu.memref_slice %arg2[%dma_wait3A_60, %dma_wait3A_61] : memref<8192x256xf32, #tpu.memory_space<hbm>> -> memref<8192x256xf32, #tpu.memory_space<hbm>>
    tpu.wait_indirect_dma semaphore(%arg11 : memref<!tpu.dma_semaphore, #tpu.memory_space<semaphore_mem>>) src(%dma_wait3A_62 : memref<8192x256xf32, #tpu.memory_space<hbm>>) dst(%arg7 : memref<128x256xf32, #tpu.memory_space<vmem>>)
    %mul3A_63 = arith.constant 512 : i32
    %mul3A_64 = arith.muli %add3A, %mul3A_63 : i32
    %add3A_65 = arith.constant 0 : i32
    %add3A_66 = arith.addi %mul3A_64, %add3A_65 : i32
    "tpu.region"() ({
      %run_scoped3A_130 = tpu.sem_alloc : memref<!tpu.dma_semaphore, #tpu.memory_space<semaphore_mem>>
      %dma_start3A_131 = arith.constant 0 : i32
      %dma_start3A_132 = tpu.memref_slice %arg4[%add3A_66, %dma_start3A_131] : memref<16384x256xf32, #tpu.memory_space<hbm>> -> memref<128x256xf32, #tpu.memory_space<hbm>>
      %dma_start3A_133 = arith.constant 0 : i32
      %dma_start3A_134 = tpu.memref_slice %arg4[%add3A_66, %dma_start3A_133] : memref<16384x256xf32, #tpu.memory_space<hbm>> -> memref<128x256xf32, #tpu.memory_space<hbm>>
      tpu.enqueue_dma source(%arg7 : memref<128x256xf32, #tpu.memory_space<vmem>>) target(%dma_start3A_134 : memref<128x256xf32, #tpu.memory_space<hbm>>) target_semaphore(%run_scoped3A_130 : memref<!tpu.dma_semaphore, #tpu.memory_space<semaphore_mem>>)
      %dma_wait3A_135 = arith.constant 0 : i32
      %dma_wait3A_136 = tpu.memref_slice %arg4[%add3A_66, %dma_wait3A_135] : memref<16384x256xf32, #tpu.memory_space<hbm>> -> memref<128x256xf32, #tpu.memory_space<hbm>>
      %dma_wait3A_137 = arith.constant 0 : i32
      %dma_wait3A_138 = tpu.memref_slice %arg4[%add3A_66, %dma_wait3A_137] : memref<16384x256xf32, #tpu.memory_space<hbm>> -> memref<128x256xf32, #tpu.memory_space<hbm>>
      tpu.wait_dma2 semaphore(%run_scoped3A_130 : memref<!tpu.dma_semaphore, #tpu.memory_space<semaphore_mem>>) src(%arg7 : memref<128x256xf32, #tpu.memory_space<vmem>>) dst(%dma_wait3A_138 : memref<128x256xf32, #tpu.memory_space<hbm>>)
      tpu.yield
    }) : () -> ()
    %run_scoped3A = arith.constant 0 : i32
    "tpu.region"() ({
      %run_scoped3A_130 = tpu.sem_alloc : memref<!tpu.dma_semaphore, #tpu.memory_space<semaphore_mem>>
      %dma_start3A_131 = arith.constant 0 : i32
      %dma_start3A_132 = tpu.memref_slice %arg6[%run_scoped3A, %dma_start3A_131] : memref<4x128xi32, #tpu.memory_space<vmem>> -> memref<1x128xi32, #tpu.memory_space<vmem>>
      %dma_start3A_133 = tpu.memref_squeeze %dma_start3A_132 : memref<1x128xi32, #tpu.memory_space<vmem>> -> memref<128xi32, #tpu.memory_space<vmem>>
      %dma_start3A_134 = arith.constant 0 : i32
      %dma_start3A_135 = tpu.memref_slice %arg10[%dma_start3A_134] : memref<8192xf32, #tpu.memory_space<vmem_shared>> -> memref<8192xf32, #tpu.memory_space<vmem_shared>>
      tpu.enqueue_indirect_dma source(%arg8 : memref<128xf32, #tpu.memory_space<vmem>>) target(%dma_start3A_135 : memref<8192xf32, #tpu.memory_space<vmem_shared>>) offsets(%dma_start3A_133 : memref<128xi32, #tpu.memory_space<vmem>>) semaphore(%run_scoped3A_130 : memref<!tpu.dma_semaphore, #tpu.memory_space<semaphore_mem>>) {add = true}
      %dma_wait3A_136 = arith.constant 0 : i32
      %dma_wait3A_137 = tpu.memref_slice %arg6[%run_scoped3A, %dma_wait3A_136] : memref<4x128xi32, #tpu.memory_space<vmem>> -> memref<1x128xi32, #tpu.memory_space<vmem>>
      %dma_wait3A_138 = tpu.memref_squeeze %dma_wait3A_137 : memref<1x128xi32, #tpu.memory_space<vmem>> -> memref<128xi32, #tpu.memory_space<vmem>>
      %dma_wait3A_139 = arith.constant 0 : i32
      %dma_wait3A_140 = tpu.memref_slice %arg10[%dma_wait3A_139] : memref<8192xf32, #tpu.memory_space<vmem_shared>> -> memref<8192xf32, #tpu.memory_space<vmem_shared>>
      tpu.wait_indirect_dma semaphore(%run_scoped3A_130 : memref<!tpu.dma_semaphore, #tpu.memory_space<semaphore_mem>>) src(%arg8 : memref<128xf32, #tpu.memory_space<vmem>>) dst(%dma_wait3A_140 : memref<8192xf32, #tpu.memory_space<vmem_shared>>)
      tpu.yield
    }) : () -> ()
    %dma_start3A_67 = arith.constant 1 : i32
    %dma_start3A_68 = arith.constant 0 : i32
    %dma_start3A_69 = tpu.memref_slice %arg6[%dma_start3A_67, %dma_start3A_68] : memref<4x128xi32, #tpu.memory_space<vmem>> -> memref<1x128xi32, #tpu.memory_space<vmem>>
    %dma_start3A_70 = tpu.memref_squeeze %dma_start3A_69 : memref<1x128xi32, #tpu.memory_space<vmem>> -> memref<128xi32, #tpu.memory_space<vmem>>
    %dma_start3A_71 = arith.constant 0 : i32
    %dma_start3A_72 = arith.constant 0 : i32
    %dma_start3A_73 = tpu.memref_slice %arg2[%dma_start3A_71, %dma_start3A_72] : memref<8192x256xf32, #tpu.memory_space<hbm>> -> memref<8192x256xf32, #tpu.memory_space<hbm>>
    tpu.enqueue_indirect_dma source(%dma_start3A_73 : memref<8192x256xf32, #tpu.memory_space<hbm>>) target(%arg7 : memref<128x256xf32, #tpu.memory_space<vmem>>) offsets(%dma_start3A_70 : memref<128xi32, #tpu.memory_space<vmem>>) semaphore(%arg11 : memref<!tpu.dma_semaphore, #tpu.memory_space<semaphore_mem>>)
    %dma_wait3A_74 = arith.constant 1 : i32
    %dma_wait3A_75 = arith.constant 0 : i32
    %dma_wait3A_76 = tpu.memref_slice %arg6[%dma_wait3A_74, %dma_wait3A_75] : memref<4x128xi32, #tpu.memory_space<vmem>> -> memref<1x128xi32, #tpu.memory_space<vmem>>
    %dma_wait3A_77 = tpu.memref_squeeze %dma_wait3A_76 : memref<1x128xi32, #tpu.memory_space<vmem>> -> memref<128xi32, #tpu.memory_space<vmem>>
    %dma_wait3A_78 = arith.constant 0 : i32
    %dma_wait3A_79 = arith.constant 0 : i32
    %dma_wait3A_80 = tpu.memref_slice %arg2[%dma_wait3A_78, %dma_wait3A_79] : memref<8192x256xf32, #tpu.memory_space<hbm>> -> memref<8192x256xf32, #tpu.memory_space<hbm>>
    tpu.wait_indirect_dma semaphore(%arg11 : memref<!tpu.dma_semaphore, #tpu.memory_space<semaphore_mem>>) src(%dma_wait3A_80 : memref<8192x256xf32, #tpu.memory_space<hbm>>) dst(%arg7 : memref<128x256xf32, #tpu.memory_space<vmem>>)
    %mul3A_81 = arith.constant 512 : i32
    %mul3A_82 = arith.muli %add3A, %mul3A_81 : i32
    %add3A_83 = arith.constant 128 : i32
    %add3A_84 = arith.addi %mul3A_82, %add3A_83 : i32
    "tpu.region"() ({
      %run_scoped3A_130 = tpu.sem_alloc : memref<!tpu.dma_semaphore, #tpu.memory_space<semaphore_mem>>
      %dma_start3A_131 = arith.constant 0 : i32
      %dma_start3A_132 = tpu.memref_slice %arg4[%add3A_84, %dma_start3A_131] : memref<16384x256xf32, #tpu.memory_space<hbm>> -> memref<128x256xf32, #tpu.memory_space<hbm>>
      %dma_start3A_133 = arith.constant 0 : i32
      %dma_start3A_134 = tpu.memref_slice %arg4[%add3A_84, %dma_start3A_133] : memref<16384x256xf32, #tpu.memory_space<hbm>> -> memref<128x256xf32, #tpu.memory_space<hbm>>
      tpu.enqueue_dma source(%arg7 : memref<128x256xf32, #tpu.memory_space<vmem>>) target(%dma_start3A_134 : memref<128x256xf32, #tpu.memory_space<hbm>>) target_semaphore(%run_scoped3A_130 : memref<!tpu.dma_semaphore, #tpu.memory_space<semaphore_mem>>)
      %dma_wait3A_135 = arith.constant 0 : i32
      %dma_wait3A_136 = tpu.memref_slice %arg4[%add3A_84, %dma_wait3A_135] : memref<16384x256xf32, #tpu.memory_space<hbm>> -> memref<128x256xf32, #tpu.memory_space<hbm>>
      %dma_wait3A_137 = arith.constant 0 : i32
      %dma_wait3A_138 = tpu.memref_slice %arg4[%add3A_84, %dma_wait3A_137] : memref<16384x256xf32, #tpu.memory_space<hbm>> -> memref<128x256xf32, #tpu.memory_space<hbm>>
      tpu.wait_dma2 semaphore(%run_scoped3A_130 : memref<!tpu.dma_semaphore, #tpu.memory_space<semaphore_mem>>) src(%arg7 : memref<128x256xf32, #tpu.memory_space<vmem>>) dst(%dma_wait3A_138 : memref<128x256xf32, #tpu.memory_space<hbm>>)
      tpu.yield
    }) : () -> ()
    %run_scoped3A_85 = arith.constant 1 : i32
    "tpu.region"() ({
      %run_scoped3A_130 = tpu.sem_alloc : memref<!tpu.dma_semaphore, #tpu.memory_space<semaphore_mem>>
      %dma_start3A_131 = arith.constant 0 : i32
      %dma_start3A_132 = tpu.memref_slice %arg6[%run_scoped3A_85, %dma_start3A_131] : memref<4x128xi32, #tpu.memory_space<vmem>> -> memref<1x128xi32, #tpu.memory_space<vmem>>
      %dma_start3A_133 = tpu.memref_squeeze %dma_start3A_132 : memref<1x128xi32, #tpu.memory_space<vmem>> -> memref<128xi32, #tpu.memory_space<vmem>>
      %dma_start3A_134 = arith.constant 0 : i32
      %dma_start3A_135 = tpu.memref_slice %arg10[%dma_start3A_134] : memref<8192xf32, #tpu.memory_space<vmem_shared>> -> memref<8192xf32, #tpu.memory_space<vmem_shared>>
      tpu.enqueue_indirect_dma source(%arg8 : memref<128xf32, #tpu.memory_space<vmem>>) target(%dma_start3A_135 : memref<8192xf32, #tpu.memory_space<vmem_shared>>) offsets(%dma_start3A_133 : memref<128xi32, #tpu.memory_space<vmem>>) semaphore(%run_scoped3A_130 : memref<!tpu.dma_semaphore, #tpu.memory_space<semaphore_mem>>) {add = true}
      %dma_wait3A_136 = arith.constant 0 : i32
      %dma_wait3A_137 = tpu.memref_slice %arg6[%run_scoped3A_85, %dma_wait3A_136] : memref<4x128xi32, #tpu.memory_space<vmem>> -> memref<1x128xi32, #tpu.memory_space<vmem>>
      %dma_wait3A_138 = tpu.memref_squeeze %dma_wait3A_137 : memref<1x128xi32, #tpu.memory_space<vmem>> -> memref<128xi32, #tpu.memory_space<vmem>>
      %dma_wait3A_139 = arith.constant 0 : i32
      %dma_wait3A_140 = tpu.memref_slice %arg10[%dma_wait3A_139] : memref<8192xf32, #tpu.memory_space<vmem_shared>> -> memref<8192xf32, #tpu.memory_space<vmem_shared>>
      tpu.wait_indirect_dma semaphore(%run_scoped3A_130 : memref<!tpu.dma_semaphore, #tpu.memory_space<semaphore_mem>>) src(%arg8 : memref<128xf32, #tpu.memory_space<vmem>>) dst(%dma_wait3A_140 : memref<8192xf32, #tpu.memory_space<vmem_shared>>)
      tpu.yield
    }) : () -> ()
    %dma_start3A_86 = arith.constant 2 : i32
    %dma_start3A_87 = arith.constant 0 : i32
    %dma_start3A_88 = tpu.memref_slice %arg6[%dma_start3A_86, %dma_start3A_87] : memref<4x128xi32, #tpu.memory_space<vmem>> -> memref<1x128xi32, #tpu.memory_space<vmem>>
    %dma_start3A_89 = tpu.memref_squeeze %dma_start3A_88 : memref<1x128xi32, #tpu.memory_space<vmem>> -> memref<128xi32, #tpu.memory_space<vmem>>
    %dma_start3A_90 = arith.constant 0 : i32
    %dma_start3A_91 = arith.constant 0 : i32
    %dma_start3A_92 = tpu.memref_slice %arg2[%dma_start3A_90, %dma_start3A_91] : memref<8192x256xf32, #tpu.memory_space<hbm>> -> memref<8192x256xf32, #tpu.memory_space<hbm>>
    tpu.enqueue_indirect_dma source(%dma_start3A_92 : memref<8192x256xf32, #tpu.memory_space<hbm>>) target(%arg7 : memref<128x256xf32, #tpu.memory_space<vmem>>) offsets(%dma_start3A_89 : memref<128xi32, #tpu.memory_space<vmem>>) semaphore(%arg11 : memref<!tpu.dma_semaphore, #tpu.memory_space<semaphore_mem>>)
    %dma_wait3A_93 = arith.constant 2 : i32
    %dma_wait3A_94 = arith.constant 0 : i32
    %dma_wait3A_95 = tpu.memref_slice %arg6[%dma_wait3A_93, %dma_wait3A_94] : memref<4x128xi32, #tpu.memory_space<vmem>> -> memref<1x128xi32, #tpu.memory_space<vmem>>
    %dma_wait3A_96 = tpu.memref_squeeze %dma_wait3A_95 : memref<1x128xi32, #tpu.memory_space<vmem>> -> memref<128xi32, #tpu.memory_space<vmem>>
    %dma_wait3A_97 = arith.constant 0 : i32
    %dma_wait3A_98 = arith.constant 0 : i32
    %dma_wait3A_99 = tpu.memref_slice %arg2[%dma_wait3A_97, %dma_wait3A_98] : memref<8192x256xf32, #tpu.memory_space<hbm>> -> memref<8192x256xf32, #tpu.memory_space<hbm>>
    tpu.wait_indirect_dma semaphore(%arg11 : memref<!tpu.dma_semaphore, #tpu.memory_space<semaphore_mem>>) src(%dma_wait3A_99 : memref<8192x256xf32, #tpu.memory_space<hbm>>) dst(%arg7 : memref<128x256xf32, #tpu.memory_space<vmem>>)
    %mul3A_100 = arith.constant 512 : i32
    %mul3A_101 = arith.muli %add3A, %mul3A_100 : i32
    %add3A_102 = arith.constant 256 : i32
    %add3A_103 = arith.addi %mul3A_101, %add3A_102 : i32
    "tpu.region"() ({
      %run_scoped3A_130 = tpu.sem_alloc : memref<!tpu.dma_semaphore, #tpu.memory_space<semaphore_mem>>
      %dma_start3A_131 = arith.constant 0 : i32
      %dma_start3A_132 = tpu.memref_slice %arg4[%add3A_103, %dma_start3A_131] : memref<16384x256xf32, #tpu.memory_space<hbm>> -> memref<128x256xf32, #tpu.memory_space<hbm>>
      %dma_start3A_133 = arith.constant 0 : i32
      %dma_start3A_134 = tpu.memref_slice %arg4[%add3A_103, %dma_start3A_133] : memref<16384x256xf32, #tpu.memory_space<hbm>> -> memref<128x256xf32, #tpu.memory_space<hbm>>
      tpu.enqueue_dma source(%arg7 : memref<128x256xf32, #tpu.memory_space<vmem>>) target(%dma_start3A_134 : memref<128x256xf32, #tpu.memory_space<hbm>>) target_semaphore(%run_scoped3A_130 : memref<!tpu.dma_semaphore, #tpu.memory_space<semaphore_mem>>)
      %dma_wait3A_135 = arith.constant 0 : i32
      %dma_wait3A_136 = tpu.memref_slice %arg4[%add3A_103, %dma_wait3A_135] : memref<16384x256xf32, #tpu.memory_space<hbm>> -> memref<128x256xf32, #tpu.memory_space<hbm>>
      %dma_wait3A_137 = arith.constant 0 : i32
      %dma_wait3A_138 = tpu.memref_slice %arg4[%add3A_103, %dma_wait3A_137] : memref<16384x256xf32, #tpu.memory_space<hbm>> -> memref<128x256xf32, #tpu.memory_space<hbm>>
      tpu.wait_dma2 semaphore(%run_scoped3A_130 : memref<!tpu.dma_semaphore, #tpu.memory_space<semaphore_mem>>) src(%arg7 : memref<128x256xf32, #tpu.memory_space<vmem>>) dst(%dma_wait3A_138 : memref<128x256xf32, #tpu.memory_space<hbm>>)
      tpu.yield
    }) : () -> ()
    %run_scoped3A_104 = arith.constant 2 : i32
    "tpu.region"() ({
      %run_scoped3A_130 = tpu.sem_alloc : memref<!tpu.dma_semaphore, #tpu.memory_space<semaphore_mem>>
      %dma_start3A_131 = arith.constant 0 : i32
      %dma_start3A_132 = tpu.memref_slice %arg6[%run_scoped3A_104, %dma_start3A_131] : memref<4x128xi32, #tpu.memory_space<vmem>> -> memref<1x128xi32, #tpu.memory_space<vmem>>
      %dma_start3A_133 = tpu.memref_squeeze %dma_start3A_132 : memref<1x128xi32, #tpu.memory_space<vmem>> -> memref<128xi32, #tpu.memory_space<vmem>>
      %dma_start3A_134 = arith.constant 0 : i32
      %dma_start3A_135 = tpu.memref_slice %arg10[%dma_start3A_134] : memref<8192xf32, #tpu.memory_space<vmem_shared>> -> memref<8192xf32, #tpu.memory_space<vmem_shared>>
      tpu.enqueue_indirect_dma source(%arg8 : memref<128xf32, #tpu.memory_space<vmem>>) target(%dma_start3A_135 : memref<8192xf32, #tpu.memory_space<vmem_shared>>) offsets(%dma_start3A_133 : memref<128xi32, #tpu.memory_space<vmem>>) semaphore(%run_scoped3A_130 : memref<!tpu.dma_semaphore, #tpu.memory_space<semaphore_mem>>) {add = true}
      %dma_wait3A_136 = arith.constant 0 : i32
      %dma_wait3A_137 = tpu.memref_slice %arg6[%run_scoped3A_104, %dma_wait3A_136] : memref<4x128xi32, #tpu.memory_space<vmem>> -> memref<1x128xi32, #tpu.memory_space<vmem>>
      %dma_wait3A_138 = tpu.memref_squeeze %dma_wait3A_137 : memref<1x128xi32, #tpu.memory_space<vmem>> -> memref<128xi32, #tpu.memory_space<vmem>>
      %dma_wait3A_139 = arith.constant 0 : i32
      %dma_wait3A_140 = tpu.memref_slice %arg10[%dma_wait3A_139] : memref<8192xf32, #tpu.memory_space<vmem_shared>> -> memref<8192xf32, #tpu.memory_space<vmem_shared>>
      tpu.wait_indirect_dma semaphore(%run_scoped3A_130 : memref<!tpu.dma_semaphore, #tpu.memory_space<semaphore_mem>>) src(%arg8 : memref<128xf32, #tpu.memory_space<vmem>>) dst(%dma_wait3A_140 : memref<8192xf32, #tpu.memory_space<vmem_shared>>)
      tpu.yield
    }) : () -> ()
    %dma_start3A_105 = arith.constant 3 : i32
    %dma_start3A_106 = arith.constant 0 : i32
    %dma_start3A_107 = tpu.memref_slice %arg6[%dma_start3A_105, %dma_start3A_106] : memref<4x128xi32, #tpu.memory_space<vmem>> -> memref<1x128xi32, #tpu.memory_space<vmem>>
    %dma_start3A_108 = tpu.memref_squeeze %dma_start3A_107 : memref<1x128xi32, #tpu.memory_space<vmem>> -> memref<128xi32, #tpu.memory_space<vmem>>
    %dma_start3A_109 = arith.constant 0 : i32
    %dma_start3A_110 = arith.constant 0 : i32
    %dma_start3A_111 = tpu.memref_slice %arg2[%dma_start3A_109, %dma_start3A_110] : memref<8192x256xf32, #tpu.memory_space<hbm>> -> memref<8192x256xf32, #tpu.memory_space<hbm>>
    tpu.enqueue_indirect_dma source(%dma_start3A_111 : memref<8192x256xf32, #tpu.memory_space<hbm>>) target(%arg7 : memref<128x256xf32, #tpu.memory_space<vmem>>) offsets(%dma_start3A_108 : memref<128xi32, #tpu.memory_space<vmem>>) semaphore(%arg11 : memref<!tpu.dma_semaphore, #tpu.memory_space<semaphore_mem>>)
    %dma_wait3A_112 = arith.constant 3 : i32
    %dma_wait3A_113 = arith.constant 0 : i32
    %dma_wait3A_114 = tpu.memref_slice %arg6[%dma_wait3A_112, %dma_wait3A_113] : memref<4x128xi32, #tpu.memory_space<vmem>> -> memref<1x128xi32, #tpu.memory_space<vmem>>
    %dma_wait3A_115 = tpu.memref_squeeze %dma_wait3A_114 : memref<1x128xi32, #tpu.memory_space<vmem>> -> memref<128xi32, #tpu.memory_space<vmem>>
    %dma_wait3A_116 = arith.constant 0 : i32
    %dma_wait3A_117 = arith.constant 0 : i32
    %dma_wait3A_118 = tpu.memref_slice %arg2[%dma_wait3A_116, %dma_wait3A_117] : memref<8192x256xf32, #tpu.memory_space<hbm>> -> memref<8192x256xf32, #tpu.memory_space<hbm>>
    tpu.wait_indirect_dma semaphore(%arg11 : memref<!tpu.dma_semaphore, #tpu.memory_space<semaphore_mem>>) src(%dma_wait3A_118 : memref<8192x256xf32, #tpu.memory_space<hbm>>) dst(%arg7 : memref<128x256xf32, #tpu.memory_space<vmem>>)
    %mul3A_119 = arith.constant 512 : i32
    %mul3A_120 = arith.muli %add3A, %mul3A_119 : i32
    %add3A_121 = arith.constant 384 : i32
    %add3A_122 = arith.addi %mul3A_120, %add3A_121 : i32
    "tpu.region"() ({
      %run_scoped3A_130 = tpu.sem_alloc : memref<!tpu.dma_semaphore, #tpu.memory_space<semaphore_mem>>
      %dma_start3A_131 = arith.constant 0 : i32
      %dma_start3A_132 = tpu.memref_slice %arg4[%add3A_122, %dma_start3A_131] : memref<16384x256xf32, #tpu.memory_space<hbm>> -> memref<128x256xf32, #tpu.memory_space<hbm>>
      %dma_start3A_133 = arith.constant 0 : i32
      %dma_start3A_134 = tpu.memref_slice %arg4[%add3A_122, %dma_start3A_133] : memref<16384x256xf32, #tpu.memory_space<hbm>> -> memref<128x256xf32, #tpu.memory_space<hbm>>
      tpu.enqueue_dma source(%arg7 : memref<128x256xf32, #tpu.memory_space<vmem>>) target(%dma_start3A_134 : memref<128x256xf32, #tpu.memory_space<hbm>>) target_semaphore(%run_scoped3A_130 : memref<!tpu.dma_semaphore, #tpu.memory_space<semaphore_mem>>)
      %dma_wait3A_135 = arith.constant 0 : i32
      %dma_wait3A_136 = tpu.memref_slice %arg4[%add3A_122, %dma_wait3A_135] : memref<16384x256xf32, #tpu.memory_space<hbm>> -> memref<128x256xf32, #tpu.memory_space<hbm>>
      %dma_wait3A_137 = arith.constant 0 : i32
      %dma_wait3A_138 = tpu.memref_slice %arg4[%add3A_122, %dma_wait3A_137] : memref<16384x256xf32, #tpu.memory_space<hbm>> -> memref<128x256xf32, #tpu.memory_space<hbm>>
      tpu.wait_dma2 semaphore(%run_scoped3A_130 : memref<!tpu.dma_semaphore, #tpu.memory_space<semaphore_mem>>) src(%arg7 : memref<128x256xf32, #tpu.memory_space<vmem>>) dst(%dma_wait3A_138 : memref<128x256xf32, #tpu.memory_space<hbm>>)
      tpu.yield
    }) : () -> ()
    %run_scoped3A_123 = arith.constant 3 : i32
    "tpu.region"() ({
      %run_scoped3A_130 = tpu.sem_alloc : memref<!tpu.dma_semaphore, #tpu.memory_space<semaphore_mem>>
      %dma_start3A_131 = arith.constant 0 : i32
      %dma_start3A_132 = tpu.memref_slice %arg6[%run_scoped3A_123, %dma_start3A_131] : memref<4x128xi32, #tpu.memory_space<vmem>> -> memref<1x128xi32, #tpu.memory_space<vmem>>
      %dma_start3A_133 = tpu.memref_squeeze %dma_start3A_132 : memref<1x128xi32, #tpu.memory_space<vmem>> -> memref<128xi32, #tpu.memory_space<vmem>>
      %dma_start3A_134 = arith.constant 0 : i32
      %dma_start3A_135 = tpu.memref_slice %arg10[%dma_start3A_134] : memref<8192xf32, #tpu.memory_space<vmem_shared>> -> memref<8192xf32, #tpu.memory_space<vmem_shared>>
      tpu.enqueue_indirect_dma source(%arg8 : memref<128xf32, #tpu.memory_space<vmem>>) target(%dma_start3A_135 : memref<8192xf32, #tpu.memory_space<vmem_shared>>) offsets(%dma_start3A_133 : memref<128xi32, #tpu.memory_space<vmem>>) semaphore(%run_scoped3A_130 : memref<!tpu.dma_semaphore, #tpu.memory_space<semaphore_mem>>) {add = true}
      %dma_wait3A_136 = arith.constant 0 : i32
      %dma_wait3A_137 = tpu.memref_slice %arg6[%run_scoped3A_123, %dma_wait3A_136] : memref<4x128xi32, #tpu.memory_space<vmem>> -> memref<1x128xi32, #tpu.memory_space<vmem>>
      %dma_wait3A_138 = tpu.memref_squeeze %dma_wait3A_137 : memref<1x128xi32, #tpu.memory_space<vmem>> -> memref<128xi32, #tpu.memory_space<vmem>>
      %dma_wait3A_139 = arith.constant 0 : i32
      %dma_wait3A_140 = tpu.memref_slice %arg10[%dma_wait3A_139] : memref<8192xf32, #tpu.memory_space<vmem_shared>> -> memref<8192xf32, #tpu.memory_space<vmem_shared>>
      tpu.wait_indirect_dma semaphore(%run_scoped3A_130 : memref<!tpu.dma_semaphore, #tpu.memory_space<semaphore_mem>>) src(%arg8 : memref<128xf32, #tpu.memory_space<vmem>>) dst(%dma_wait3A_140 : memref<8192xf32, #tpu.memory_space<vmem_shared>>)
      tpu.yield
    }) : () -> ()
    %barrier3A_124 = arith.constant 0 : index
    tpu.barrier barrier_id(%barrier3A_124)
    %eq3A_125 = arith.constant 0 : i32
    %eq3A_126 = arith.cmpi eq, %arg1, %eq3A_125 : i32
    %convert_element_type3A_127 = arith.extui %eq3A_126 : i1 to i32
    %cond3A_128 = arith.constant 0 : i32
    %cond3A_129 = arith.cmpi ne, %convert_element_type3A_127, %cond3A_128 : i32
    scf.if %cond3A_129 {
      "tpu.region"() ({
        %run_scoped3A_130 = tpu.sem_alloc : memref<!tpu.dma_semaphore, #tpu.memory_space<semaphore_mem>>
        %dma_start3A_131 = arith.constant 0 : i32
        %dma_start3A_132 = tpu.memref_slice %arg5[%arg0, %dma_start3A_131] : memref<2x8192xf32, #tpu.memory_space<hbm>> -> memref<1x8192xf32, #tpu.memory_space<hbm>>
        %dma_start3A_133 = tpu.memref_squeeze %dma_start3A_132 : memref<1x8192xf32, #tpu.memory_space<hbm>> -> memref<8192xf32, #tpu.memory_space<hbm>>
        tpu.enqueue_dma source(%arg10 : memref<8192xf32, #tpu.memory_space<vmem_shared>>) target(%dma_start3A_133 : memref<8192xf32, #tpu.memory_space<hbm>>) target_semaphore(%run_scoped3A_130 : memref<!tpu.dma_semaphore, #tpu.memory_space<semaphore_mem>>)
        %dma_wait3A_134 = arith.constant 0 : i32
        %dma_wait3A_135 = tpu.memref_slice %arg5[%arg0, %dma_wait3A_134] : memref<2x8192xf32, #tpu.memory_space<hbm>> -> memref<1x8192xf32, #tpu.memory_space<hbm>>
        %dma_wait3A_136 = tpu.memref_squeeze %dma_wait3A_135 : memref<1x8192xf32, #tpu.memory_space<hbm>> -> memref<8192xf32, #tpu.memory_space<hbm>>
        tpu.wait_dma2 semaphore(%run_scoped3A_130 : memref<!tpu.dma_semaphore, #tpu.memory_space<semaphore_mem>>) src(%arg10 : memref<8192xf32, #tpu.memory_space<vmem_shared>>) dst(%dma_wait3A_136 : memref<8192xf32, #tpu.memory_space<hbm>>)
        tpu.yield
      }) : () -> ()
    } else {
    }
    return
  }
}

module attributes {stable_mosaic.version = 14 : i64} {
  func.func @_argmin_body(%arg0: i32, %arg1: memref<1x256x1024xf32, #tpu.memory_space<vmem>>, %arg2: memref<8192x256xf32, #tpu.memory_space<vmem>>, %arg3: memref<1x1x1024xi32, #tpu.memory_space<vmem>>, %arg4: memref<1x1xf32, #tpu.memory_space<vmem>>) attributes {dimension_semantics = [#tpu.dimension_semantics<arbitrary>], iteration_bounds = array<i64: 16>, scalar_prefetch = 0 : i64, scratch_operands = 0 : i64, tpu.core_type = #tpu.core_type<tc>, window_params = [{transform_indices = @transform_0, window_bounds = array<i64: 1, 256, 1024>}, {pipeline_mode = #tpu.pipeline_mode<synchronous>, transform_indices = @transform_1, window_bounds = array<i64: 8192, 256>}, {transform_indices = @transform_2, window_bounds = array<i64: 1, 1, 1024>}, {pipeline_mode = #tpu.pipeline_mode<synchronous>, transform_indices = @transform_3, window_bounds = array<i64: 1, 1>}]} {
    %get3A = arith.constant 0 : index
    %get3A_0 = arith.constant 0 : index
    %get3A_1 = arith.constant 0 : index
    %get3A_2 = vector.load %arg1[%get3A, %get3A_0, %get3A_1] : memref<1x256x1024xf32, #tpu.memory_space<vmem>>, vector<1x256x1024xf32>
    %get3A_3 = vector.shape_cast %get3A_2 : vector<1x256x1024xf32> to vector<256x1024xf32>
    %mul3A = arith.mulf %get3A_3, %get3A_3 : vector<256x1024xf32>
    %reduce_sum3A = arith.constant dense<0.000000e+00> : vector<1024xf32>
    %reduce_sum3A_4 = vector.multi_reduction <add>, %mul3A, %reduce_sum3A [0] : vector<256x1024xf32> to vector<1024xf32>
    %broadcast_in_dim3A = vector.shape_cast %reduce_sum3A_4 : vector<1024xf32> to vector<1x1024xf32>
    %broadcast_in_dim3A_5 = arith.constant 0x7F800000 : f32
    %broadcast_in_dim3A_6 = vector.broadcast %broadcast_in_dim3A_5 : f32 to vector<1x1024xf32>
    %broadcast_in_dim3A_7 = arith.constant 0 : i32
    %broadcast_in_dim3A_8 = vector.broadcast %broadcast_in_dim3A_7 : i32 to vector<1x1024xi32>
    %get3A_9 = arith.constant 0 : index
    %get3A_10 = arith.constant 0 : index
    %get3A_11 = vector.load %arg2[%get3A_9, %get3A_10] : memref<8192x256xf32, #tpu.memory_space<vmem>>, vector<1024x256xf32>
    %mul3A_12 = arith.mulf %get3A_11, %get3A_11 : vector<1024x256xf32>
    %reduce_sum3A_13 = arith.constant dense<0.000000e+00> : vector<1024xf32>
    %reduce_sum3A_14 = vector.multi_reduction <add>, %mul3A_12, %reduce_sum3A_13 [1] : vector<1024x256xf32> to vector<1024xf32>
    %broadcast_in_dim3A_15 = vector.shape_cast %reduce_sum3A_14 : vector<1024xf32> to vector<1024x1xf32>
    %convert_element_type3A = arith.truncf %get3A_11 : vector<1024x256xf32> to vector<1024x256xbf16>
    %convert_element_type3A_16 = arith.truncf %get3A_3 : vector<256x1024xf32> to vector<256x1024xbf16>
    %dot_general3A = arith.constant dense<0.000000e+00> : vector<1024x1024xf32>
    %dot_general3A_17 = tpu.matmul %convert_element_type3A, %convert_element_type3A_16, %dot_general3A {dimension_numbers = #tpu.dot_dimension_numbers<[1], [0], [0], [1], [0, 0, 1, 1], [], []>, transpose_lhs_hint = false} : vector<1024x256xbf16>, vector<256x1024xbf16>, vector<1024x1024xf32> -> vector<1024x1024xf32>
    %add3A = vector.broadcast %broadcast_in_dim3A : vector<1x1024xf32> to vector<1024x1024xf32>
    %add3A_18 = vector.broadcast %broadcast_in_dim3A_15 : vector<1024x1xf32> to vector<1024x1024xf32>
    %add3A_19 = arith.addf %add3A, %add3A_18 : vector<1024x1024xf32>
    %mul3A_20 = arith.constant 2.000000e+00 : f32
    %mul3A_21 = vector.broadcast %mul3A_20 : f32 to vector<1024x1024xf32>
    %mul3A_22 = arith.mulf %mul3A_21, %dot_general3A_17 : vector<1024x1024xf32>
    %sub3A = arith.subf %add3A_19, %mul3A_22 : vector<1024x1024xf32>
    %reduce_min3A = arith.constant dense<0x7F800000> : vector<1024xf32>
    %reduce_min3A_23 = vector.multi_reduction <minimumf>, %sub3A, %reduce_min3A [0] : vector<1024x1024xf32> to vector<1024xf32>
    %broadcast_in_dim3A_24 = vector.shape_cast %reduce_min3A_23 : vector<1024xf32> to vector<1x1024xf32>
    %iota3A = tpu.iota {dimensions = array<i32: 0>} : vector<1024x1024xi32>
    %eq3A = vector.broadcast %broadcast_in_dim3A_24 : vector<1x1024xf32> to vector<1024x1024xf32>
    %eq3A_25 = arith.cmpf oeq, %sub3A, %eq3A : vector<1024x1024xf32>
    %jit3A = arith.constant 8192 : i32
    %broadcast_in_dim3A_26 = vector.broadcast %jit3A : i32 to vector<1024x1024xi32>
    %select_n3A = arith.select %eq3A_25, %iota3A, %broadcast_in_dim3A_26 : vector<1024x1024xi1>, vector<1024x1024xi32>
    %reduce_min3A_27 = arith.constant dense<2147483647> : vector<1024xi32>
    %reduce_min3A_28 = vector.multi_reduction <minsi>, %select_n3A, %reduce_min3A_27 [0] : vector<1024x1024xi32> to vector<1024xi32>
    %broadcast_in_dim3A_29 = vector.shape_cast %reduce_min3A_28 : vector<1024xi32> to vector<1x1024xi32>
    %add3A_30 = arith.constant 0 : i32
    %add3A_31 = vector.broadcast %add3A_30 : i32 to vector<1x1024xi32>
    %add3A_32 = arith.addi %broadcast_in_dim3A_29, %add3A_31 : vector<1x1024xi32>
    %lt3A = arith.cmpf olt, %broadcast_in_dim3A_24, %broadcast_in_dim3A_6 : vector<1x1024xf32>
    %select_n3A_33 = arith.select %lt3A, %add3A_32, %broadcast_in_dim3A_8 : vector<1x1024xi1>, vector<1x1024xi32>
    %select_n3A_34 = arith.select %lt3A, %broadcast_in_dim3A_24, %broadcast_in_dim3A_6 : vector<1x1024xi1>, vector<1x1024xf32>
    %convert_element_type3A_35 = arith.truncf %select_n3A_34 : vector<1x1024xf32> to vector<1x1024xbf16>
    %convert_element_type3A_36 = arith.extf %convert_element_type3A_35 : vector<1x1024xbf16> to vector<1x1024xf32>
    %get3A_37 = arith.constant 1024 : index
    %get3A_38 = arith.constant 0 : index
    %get3A_39 = vector.load %arg2[%get3A_37, %get3A_38] : memref<8192x256xf32, #tpu.memory_space<vmem>>, vector<1024x256xf32>
    %mul3A_40 = arith.mulf %get3A_39, %get3A_39 : vector<1024x256xf32>
    %reduce_sum3A_41 = arith.constant dense<0.000000e+00> : vector<1024xf32>
    %reduce_sum3A_42 = vector.multi_reduction <add>, %mul3A_40, %reduce_sum3A_41 [1] : vector<1024x256xf32> to vector<1024xf32>
    %broadcast_in_dim3A_43 = vector.shape_cast %reduce_sum3A_42 : vector<1024xf32> to vector<1024x1xf32>
    %convert_element_type3A_44 = arith.truncf %get3A_39 : vector<1024x256xf32> to vector<1024x256xbf16>
    %convert_element_type3A_45 = arith.truncf %get3A_3 : vector<256x1024xf32> to vector<256x1024xbf16>
    %dot_general3A_46 = arith.constant dense<0.000000e+00> : vector<1024x1024xf32>
    %dot_general3A_47 = tpu.matmul %convert_element_type3A_44, %convert_element_type3A_45, %dot_general3A_46 {dimension_numbers = #tpu.dot_dimension_numbers<[1], [0], [0], [1], [0, 0, 1, 1], [], []>, transpose_lhs_hint = false} : vector<1024x256xbf16>, vector<256x1024xbf16>, vector<1024x1024xf32> -> vector<1024x1024xf32>
    %add3A_48 = vector.broadcast %broadcast_in_dim3A : vector<1x1024xf32> to vector<1024x1024xf32>
    %add3A_49 = vector.broadcast %broadcast_in_dim3A_43 : vector<1024x1xf32> to vector<1024x1024xf32>
    %add3A_50 = arith.addf %add3A_48, %add3A_49 : vector<1024x1024xf32>
    %mul3A_51 = arith.constant 2.000000e+00 : f32
    %mul3A_52 = vector.broadcast %mul3A_51 : f32 to vector<1024x1024xf32>
    %mul3A_53 = arith.mulf %mul3A_52, %dot_general3A_47 : vector<1024x1024xf32>
    %sub3A_54 = arith.subf %add3A_50, %mul3A_53 : vector<1024x1024xf32>
    %reduce_min3A_55 = arith.constant dense<0x7F800000> : vector<1024xf32>
    %reduce_min3A_56 = vector.multi_reduction <minimumf>, %sub3A_54, %reduce_min3A_55 [0] : vector<1024x1024xf32> to vector<1024xf32>
    %broadcast_in_dim3A_57 = vector.shape_cast %reduce_min3A_56 : vector<1024xf32> to vector<1x1024xf32>
    %iota3A_58 = tpu.iota {dimensions = array<i32: 0>} : vector<1024x1024xi32>
    %eq3A_59 = vector.broadcast %broadcast_in_dim3A_57 : vector<1x1024xf32> to vector<1024x1024xf32>
    %eq3A_60 = arith.cmpf oeq, %sub3A_54, %eq3A_59 : vector<1024x1024xf32>
    %jit3A_61 = arith.constant 8192 : i32
    %broadcast_in_dim3A_62 = vector.broadcast %jit3A_61 : i32 to vector<1024x1024xi32>
    %select_n3A_63 = arith.select %eq3A_60, %iota3A_58, %broadcast_in_dim3A_62 : vector<1024x1024xi1>, vector<1024x1024xi32>
    %reduce_min3A_64 = arith.constant dense<2147483647> : vector<1024xi32>
    %reduce_min3A_65 = vector.multi_reduction <minsi>, %select_n3A_63, %reduce_min3A_64 [0] : vector<1024x1024xi32> to vector<1024xi32>
    %broadcast_in_dim3A_66 = vector.shape_cast %reduce_min3A_65 : vector<1024xi32> to vector<1x1024xi32>
    %add3A_67 = arith.constant 1024 : i32
    %add3A_68 = vector.broadcast %add3A_67 : i32 to vector<1x1024xi32>
    %add3A_69 = arith.addi %broadcast_in_dim3A_66, %add3A_68 : vector<1x1024xi32>
    %lt3A_70 = arith.cmpf olt, %broadcast_in_dim3A_57, %convert_element_type3A_36 : vector<1x1024xf32>
    %select_n3A_71 = arith.select %lt3A_70, %add3A_69, %select_n3A_33 : vector<1x1024xi1>, vector<1x1024xi32>
    %select_n3A_72 = arith.select %lt3A_70, %broadcast_in_dim3A_57, %convert_element_type3A_36 : vector<1x1024xi1>, vector<1x1024xf32>
    %convert_element_type3A_73 = arith.truncf %select_n3A_72 : vector<1x1024xf32> to vector<1x1024xbf16>
    %convert_element_type3A_74 = arith.extf %convert_element_type3A_73 : vector<1x1024xbf16> to vector<1x1024xf32>
    %get3A_75 = arith.constant 2048 : index
    %get3A_76 = arith.constant 0 : index
    %get3A_77 = vector.load %arg2[%get3A_75, %get3A_76] : memref<8192x256xf32, #tpu.memory_space<vmem>>, vector<1024x256xf32>
    %mul3A_78 = arith.mulf %get3A_77, %get3A_77 : vector<1024x256xf32>
    %reduce_sum3A_79 = arith.constant dense<0.000000e+00> : vector<1024xf32>
    %reduce_sum3A_80 = vector.multi_reduction <add>, %mul3A_78, %reduce_sum3A_79 [1] : vector<1024x256xf32> to vector<1024xf32>
    %broadcast_in_dim3A_81 = vector.shape_cast %reduce_sum3A_80 : vector<1024xf32> to vector<1024x1xf32>
    %convert_element_type3A_82 = arith.truncf %get3A_77 : vector<1024x256xf32> to vector<1024x256xbf16>
    %convert_element_type3A_83 = arith.truncf %get3A_3 : vector<256x1024xf32> to vector<256x1024xbf16>
    %dot_general3A_84 = arith.constant dense<0.000000e+00> : vector<1024x1024xf32>
    %dot_general3A_85 = tpu.matmul %convert_element_type3A_82, %convert_element_type3A_83, %dot_general3A_84 {dimension_numbers = #tpu.dot_dimension_numbers<[1], [0], [0], [1], [0, 0, 1, 1], [], []>, transpose_lhs_hint = false} : vector<1024x256xbf16>, vector<256x1024xbf16>, vector<1024x1024xf32> -> vector<1024x1024xf32>
    %add3A_86 = vector.broadcast %broadcast_in_dim3A : vector<1x1024xf32> to vector<1024x1024xf32>
    %add3A_87 = vector.broadcast %broadcast_in_dim3A_81 : vector<1024x1xf32> to vector<1024x1024xf32>
    %add3A_88 = arith.addf %add3A_86, %add3A_87 : vector<1024x1024xf32>
    %mul3A_89 = arith.constant 2.000000e+00 : f32
    %mul3A_90 = vector.broadcast %mul3A_89 : f32 to vector<1024x1024xf32>
    %mul3A_91 = arith.mulf %mul3A_90, %dot_general3A_85 : vector<1024x1024xf32>
    %sub3A_92 = arith.subf %add3A_88, %mul3A_91 : vector<1024x1024xf32>
    %reduce_min3A_93 = arith.constant dense<0x7F800000> : vector<1024xf32>
    %reduce_min3A_94 = vector.multi_reduction <minimumf>, %sub3A_92, %reduce_min3A_93 [0] : vector<1024x1024xf32> to vector<1024xf32>
    %broadcast_in_dim3A_95 = vector.shape_cast %reduce_min3A_94 : vector<1024xf32> to vector<1x1024xf32>
    %iota3A_96 = tpu.iota {dimensions = array<i32: 0>} : vector<1024x1024xi32>
    %eq3A_97 = vector.broadcast %broadcast_in_dim3A_95 : vector<1x1024xf32> to vector<1024x1024xf32>
    %eq3A_98 = arith.cmpf oeq, %sub3A_92, %eq3A_97 : vector<1024x1024xf32>
    %jit3A_99 = arith.constant 8192 : i32
    %broadcast_in_dim3A_100 = vector.broadcast %jit3A_99 : i32 to vector<1024x1024xi32>
    %select_n3A_101 = arith.select %eq3A_98, %iota3A_96, %broadcast_in_dim3A_100 : vector<1024x1024xi1>, vector<1024x1024xi32>
    %reduce_min3A_102 = arith.constant dense<2147483647> : vector<1024xi32>
    %reduce_min3A_103 = vector.multi_reduction <minsi>, %select_n3A_101, %reduce_min3A_102 [0] : vector<1024x1024xi32> to vector<1024xi32>
    %broadcast_in_dim3A_104 = vector.shape_cast %reduce_min3A_103 : vector<1024xi32> to vector<1x1024xi32>
    %add3A_105 = arith.constant 2048 : i32
    %add3A_106 = vector.broadcast %add3A_105 : i32 to vector<1x1024xi32>
    %add3A_107 = arith.addi %broadcast_in_dim3A_104, %add3A_106 : vector<1x1024xi32>
    %lt3A_108 = arith.cmpf olt, %broadcast_in_dim3A_95, %convert_element_type3A_74 : vector<1x1024xf32>
    %select_n3A_109 = arith.select %lt3A_108, %add3A_107, %select_n3A_71 : vector<1x1024xi1>, vector<1x1024xi32>
    %select_n3A_110 = arith.select %lt3A_108, %broadcast_in_dim3A_95, %convert_element_type3A_74 : vector<1x1024xi1>, vector<1x1024xf32>
    %convert_element_type3A_111 = arith.truncf %select_n3A_110 : vector<1x1024xf32> to vector<1x1024xbf16>
    %convert_element_type3A_112 = arith.extf %convert_element_type3A_111 : vector<1x1024xbf16> to vector<1x1024xf32>
    %get3A_113 = arith.constant 3072 : index
    %get3A_114 = arith.constant 0 : index
    %get3A_115 = vector.load %arg2[%get3A_113, %get3A_114] : memref<8192x256xf32, #tpu.memory_space<vmem>>, vector<1024x256xf32>
    %mul3A_116 = arith.mulf %get3A_115, %get3A_115 : vector<1024x256xf32>
    %reduce_sum3A_117 = arith.constant dense<0.000000e+00> : vector<1024xf32>
    %reduce_sum3A_118 = vector.multi_reduction <add>, %mul3A_116, %reduce_sum3A_117 [1] : vector<1024x256xf32> to vector<1024xf32>
    %broadcast_in_dim3A_119 = vector.shape_cast %reduce_sum3A_118 : vector<1024xf32> to vector<1024x1xf32>
    %convert_element_type3A_120 = arith.truncf %get3A_115 : vector<1024x256xf32> to vector<1024x256xbf16>
    %convert_element_type3A_121 = arith.truncf %get3A_3 : vector<256x1024xf32> to vector<256x1024xbf16>
    %dot_general3A_122 = arith.constant dense<0.000000e+00> : vector<1024x1024xf32>
    %dot_general3A_123 = tpu.matmul %convert_element_type3A_120, %convert_element_type3A_121, %dot_general3A_122 {dimension_numbers = #tpu.dot_dimension_numbers<[1], [0], [0], [1], [0, 0, 1, 1], [], []>, transpose_lhs_hint = false} : vector<1024x256xbf16>, vector<256x1024xbf16>, vector<1024x1024xf32> -> vector<1024x1024xf32>
    %add3A_124 = vector.broadcast %broadcast_in_dim3A : vector<1x1024xf32> to vector<1024x1024xf32>
    %add3A_125 = vector.broadcast %broadcast_in_dim3A_119 : vector<1024x1xf32> to vector<1024x1024xf32>
    %add3A_126 = arith.addf %add3A_124, %add3A_125 : vector<1024x1024xf32>
    %mul3A_127 = arith.constant 2.000000e+00 : f32
    %mul3A_128 = vector.broadcast %mul3A_127 : f32 to vector<1024x1024xf32>
    %mul3A_129 = arith.mulf %mul3A_128, %dot_general3A_123 : vector<1024x1024xf32>
    %sub3A_130 = arith.subf %add3A_126, %mul3A_129 : vector<1024x1024xf32>
    %reduce_min3A_131 = arith.constant dense<0x7F800000> : vector<1024xf32>
    %reduce_min3A_132 = vector.multi_reduction <minimumf>, %sub3A_130, %reduce_min3A_131 [0] : vector<1024x1024xf32> to vector<1024xf32>
    %broadcast_in_dim3A_133 = vector.shape_cast %reduce_min3A_132 : vector<1024xf32> to vector<1x1024xf32>
    %iota3A_134 = tpu.iota {dimensions = array<i32: 0>} : vector<1024x1024xi32>
    %eq3A_135 = vector.broadcast %broadcast_in_dim3A_133 : vector<1x1024xf32> to vector<1024x1024xf32>
    %eq3A_136 = arith.cmpf oeq, %sub3A_130, %eq3A_135 : vector<1024x1024xf32>
    %jit3A_137 = arith.constant 8192 : i32
    %broadcast_in_dim3A_138 = vector.broadcast %jit3A_137 : i32 to vector<1024x1024xi32>
    %select_n3A_139 = arith.select %eq3A_136, %iota3A_134, %broadcast_in_dim3A_138 : vector<1024x1024xi1>, vector<1024x1024xi32>
    %reduce_min3A_140 = arith.constant dense<2147483647> : vector<1024xi32>
    %reduce_min3A_141 = vector.multi_reduction <minsi>, %select_n3A_139, %reduce_min3A_140 [0] : vector<1024x1024xi32> to vector<1024xi32>
    %broadcast_in_dim3A_142 = vector.shape_cast %reduce_min3A_141 : vector<1024xi32> to vector<1x1024xi32>
    %add3A_143 = arith.constant 3072 : i32
    %add3A_144 = vector.broadcast %add3A_143 : i32 to vector<1x1024xi32>
    %add3A_145 = arith.addi %broadcast_in_dim3A_142, %add3A_144 : vector<1x1024xi32>
    %lt3A_146 = arith.cmpf olt, %broadcast_in_dim3A_133, %convert_element_type3A_112 : vector<1x1024xf32>
    %select_n3A_147 = arith.select %lt3A_146, %add3A_145, %select_n3A_109 : vector<1x1024xi1>, vector<1x1024xi32>
    %select_n3A_148 = arith.select %lt3A_146, %broadcast_in_dim3A_133, %convert_element_type3A_112 : vector<1x1024xi1>, vector<1x1024xf32>
    %convert_element_type3A_149 = arith.truncf %select_n3A_148 : vector<1x1024xf32> to vector<1x1024xbf16>
    %convert_element_type3A_150 = arith.extf %convert_element_type3A_149 : vector<1x1024xbf16> to vector<1x1024xf32>
    %get3A_151 = arith.constant 4096 : index
    %get3A_152 = arith.constant 0 : index
    %get3A_153 = vector.load %arg2[%get3A_151, %get3A_152] : memref<8192x256xf32, #tpu.memory_space<vmem>>, vector<1024x256xf32>
    %mul3A_154 = arith.mulf %get3A_153, %get3A_153 : vector<1024x256xf32>
    %reduce_sum3A_155 = arith.constant dense<0.000000e+00> : vector<1024xf32>
    %reduce_sum3A_156 = vector.multi_reduction <add>, %mul3A_154, %reduce_sum3A_155 [1] : vector<1024x256xf32> to vector<1024xf32>
    %broadcast_in_dim3A_157 = vector.shape_cast %reduce_sum3A_156 : vector<1024xf32> to vector<1024x1xf32>
    %convert_element_type3A_158 = arith.truncf %get3A_153 : vector<1024x256xf32> to vector<1024x256xbf16>
    %convert_element_type3A_159 = arith.truncf %get3A_3 : vector<256x1024xf32> to vector<256x1024xbf16>
    %dot_general3A_160 = arith.constant dense<0.000000e+00> : vector<1024x1024xf32>
    %dot_general3A_161 = tpu.matmul %convert_element_type3A_158, %convert_element_type3A_159, %dot_general3A_160 {dimension_numbers = #tpu.dot_dimension_numbers<[1], [0], [0], [1], [0, 0, 1, 1], [], []>, transpose_lhs_hint = false} : vector<1024x256xbf16>, vector<256x1024xbf16>, vector<1024x1024xf32> -> vector<1024x1024xf32>
    %add3A_162 = vector.broadcast %broadcast_in_dim3A : vector<1x1024xf32> to vector<1024x1024xf32>
    %add3A_163 = vector.broadcast %broadcast_in_dim3A_157 : vector<1024x1xf32> to vector<1024x1024xf32>
    %add3A_164 = arith.addf %add3A_162, %add3A_163 : vector<1024x1024xf32>
    %mul3A_165 = arith.constant 2.000000e+00 : f32
    %mul3A_166 = vector.broadcast %mul3A_165 : f32 to vector<1024x1024xf32>
    %mul3A_167 = arith.mulf %mul3A_166, %dot_general3A_161 : vector<1024x1024xf32>
    %sub3A_168 = arith.subf %add3A_164, %mul3A_167 : vector<1024x1024xf32>
    %reduce_min3A_169 = arith.constant dense<0x7F800000> : vector<1024xf32>
    %reduce_min3A_170 = vector.multi_reduction <minimumf>, %sub3A_168, %reduce_min3A_169 [0] : vector<1024x1024xf32> to vector<1024xf32>
    %broadcast_in_dim3A_171 = vector.shape_cast %reduce_min3A_170 : vector<1024xf32> to vector<1x1024xf32>
    %iota3A_172 = tpu.iota {dimensions = array<i32: 0>} : vector<1024x1024xi32>
    %eq3A_173 = vector.broadcast %broadcast_in_dim3A_171 : vector<1x1024xf32> to vector<1024x1024xf32>
    %eq3A_174 = arith.cmpf oeq, %sub3A_168, %eq3A_173 : vector<1024x1024xf32>
    %jit3A_175 = arith.constant 8192 : i32
    %broadcast_in_dim3A_176 = vector.broadcast %jit3A_175 : i32 to vector<1024x1024xi32>
    %select_n3A_177 = arith.select %eq3A_174, %iota3A_172, %broadcast_in_dim3A_176 : vector<1024x1024xi1>, vector<1024x1024xi32>
    %reduce_min3A_178 = arith.constant dense<2147483647> : vector<1024xi32>
    %reduce_min3A_179 = vector.multi_reduction <minsi>, %select_n3A_177, %reduce_min3A_178 [0] : vector<1024x1024xi32> to vector<1024xi32>
    %broadcast_in_dim3A_180 = vector.shape_cast %reduce_min3A_179 : vector<1024xi32> to vector<1x1024xi32>
    %add3A_181 = arith.constant 4096 : i32
    %add3A_182 = vector.broadcast %add3A_181 : i32 to vector<1x1024xi32>
    %add3A_183 = arith.addi %broadcast_in_dim3A_180, %add3A_182 : vector<1x1024xi32>
    %lt3A_184 = arith.cmpf olt, %broadcast_in_dim3A_171, %convert_element_type3A_150 : vector<1x1024xf32>
    %select_n3A_185 = arith.select %lt3A_184, %add3A_183, %select_n3A_147 : vector<1x1024xi1>, vector<1x1024xi32>
    %select_n3A_186 = arith.select %lt3A_184, %broadcast_in_dim3A_171, %convert_element_type3A_150 : vector<1x1024xi1>, vector<1x1024xf32>
    %convert_element_type3A_187 = arith.truncf %select_n3A_186 : vector<1x1024xf32> to vector<1x1024xbf16>
    %convert_element_type3A_188 = arith.extf %convert_element_type3A_187 : vector<1x1024xbf16> to vector<1x1024xf32>
    %get3A_189 = arith.constant 5120 : index
    %get3A_190 = arith.constant 0 : index
    %get3A_191 = vector.load %arg2[%get3A_189, %get3A_190] : memref<8192x256xf32, #tpu.memory_space<vmem>>, vector<1024x256xf32>
    %mul3A_192 = arith.mulf %get3A_191, %get3A_191 : vector<1024x256xf32>
    %reduce_sum3A_193 = arith.constant dense<0.000000e+00> : vector<1024xf32>
    %reduce_sum3A_194 = vector.multi_reduction <add>, %mul3A_192, %reduce_sum3A_193 [1] : vector<1024x256xf32> to vector<1024xf32>
    %broadcast_in_dim3A_195 = vector.shape_cast %reduce_sum3A_194 : vector<1024xf32> to vector<1024x1xf32>
    %convert_element_type3A_196 = arith.truncf %get3A_191 : vector<1024x256xf32> to vector<1024x256xbf16>
    %convert_element_type3A_197 = arith.truncf %get3A_3 : vector<256x1024xf32> to vector<256x1024xbf16>
    %dot_general3A_198 = arith.constant dense<0.000000e+00> : vector<1024x1024xf32>
    %dot_general3A_199 = tpu.matmul %convert_element_type3A_196, %convert_element_type3A_197, %dot_general3A_198 {dimension_numbers = #tpu.dot_dimension_numbers<[1], [0], [0], [1], [0, 0, 1, 1], [], []>, transpose_lhs_hint = false} : vector<1024x256xbf16>, vector<256x1024xbf16>, vector<1024x1024xf32> -> vector<1024x1024xf32>
    %add3A_200 = vector.broadcast %broadcast_in_dim3A : vector<1x1024xf32> to vector<1024x1024xf32>
    %add3A_201 = vector.broadcast %broadcast_in_dim3A_195 : vector<1024x1xf32> to vector<1024x1024xf32>
    %add3A_202 = arith.addf %add3A_200, %add3A_201 : vector<1024x1024xf32>
    %mul3A_203 = arith.constant 2.000000e+00 : f32
    %mul3A_204 = vector.broadcast %mul3A_203 : f32 to vector<1024x1024xf32>
    %mul3A_205 = arith.mulf %mul3A_204, %dot_general3A_199 : vector<1024x1024xf32>
    %sub3A_206 = arith.subf %add3A_202, %mul3A_205 : vector<1024x1024xf32>
    %reduce_min3A_207 = arith.constant dense<0x7F800000> : vector<1024xf32>
    %reduce_min3A_208 = vector.multi_reduction <minimumf>, %sub3A_206, %reduce_min3A_207 [0] : vector<1024x1024xf32> to vector<1024xf32>
    %broadcast_in_dim3A_209 = vector.shape_cast %reduce_min3A_208 : vector<1024xf32> to vector<1x1024xf32>
    %iota3A_210 = tpu.iota {dimensions = array<i32: 0>} : vector<1024x1024xi32>
    %eq3A_211 = vector.broadcast %broadcast_in_dim3A_209 : vector<1x1024xf32> to vector<1024x1024xf32>
    %eq3A_212 = arith.cmpf oeq, %sub3A_206, %eq3A_211 : vector<1024x1024xf32>
    %jit3A_213 = arith.constant 8192 : i32
    %broadcast_in_dim3A_214 = vector.broadcast %jit3A_213 : i32 to vector<1024x1024xi32>
    %select_n3A_215 = arith.select %eq3A_212, %iota3A_210, %broadcast_in_dim3A_214 : vector<1024x1024xi1>, vector<1024x1024xi32>
    %reduce_min3A_216 = arith.constant dense<2147483647> : vector<1024xi32>
    %reduce_min3A_217 = vector.multi_reduction <minsi>, %select_n3A_215, %reduce_min3A_216 [0] : vector<1024x1024xi32> to vector<1024xi32>
    %broadcast_in_dim3A_218 = vector.shape_cast %reduce_min3A_217 : vector<1024xi32> to vector<1x1024xi32>
    %add3A_219 = arith.constant 5120 : i32
    %add3A_220 = vector.broadcast %add3A_219 : i32 to vector<1x1024xi32>
    %add3A_221 = arith.addi %broadcast_in_dim3A_218, %add3A_220 : vector<1x1024xi32>
    %lt3A_222 = arith.cmpf olt, %broadcast_in_dim3A_209, %convert_element_type3A_188 : vector<1x1024xf32>
    %select_n3A_223 = arith.select %lt3A_222, %add3A_221, %select_n3A_185 : vector<1x1024xi1>, vector<1x1024xi32>
    %select_n3A_224 = arith.select %lt3A_222, %broadcast_in_dim3A_209, %convert_element_type3A_188 : vector<1x1024xi1>, vector<1x1024xf32>
    %convert_element_type3A_225 = arith.truncf %select_n3A_224 : vector<1x1024xf32> to vector<1x1024xbf16>
    %convert_element_type3A_226 = arith.extf %convert_element_type3A_225 : vector<1x1024xbf16> to vector<1x1024xf32>
    %get3A_227 = arith.constant 6144 : index
    %get3A_228 = arith.constant 0 : index
    %get3A_229 = vector.load %arg2[%get3A_227, %get3A_228] : memref<8192x256xf32, #tpu.memory_space<vmem>>, vector<1024x256xf32>
    %mul3A_230 = arith.mulf %get3A_229, %get3A_229 : vector<1024x256xf32>
    %reduce_sum3A_231 = arith.constant dense<0.000000e+00> : vector<1024xf32>
    %reduce_sum3A_232 = vector.multi_reduction <add>, %mul3A_230, %reduce_sum3A_231 [1] : vector<1024x256xf32> to vector<1024xf32>
    %broadcast_in_dim3A_233 = vector.shape_cast %reduce_sum3A_232 : vector<1024xf32> to vector<1024x1xf32>
    %convert_element_type3A_234 = arith.truncf %get3A_229 : vector<1024x256xf32> to vector<1024x256xbf16>
    %convert_element_type3A_235 = arith.truncf %get3A_3 : vector<256x1024xf32> to vector<256x1024xbf16>
    %dot_general3A_236 = arith.constant dense<0.000000e+00> : vector<1024x1024xf32>
    %dot_general3A_237 = tpu.matmul %convert_element_type3A_234, %convert_element_type3A_235, %dot_general3A_236 {dimension_numbers = #tpu.dot_dimension_numbers<[1], [0], [0], [1], [0, 0, 1, 1], [], []>, transpose_lhs_hint = false} : vector<1024x256xbf16>, vector<256x1024xbf16>, vector<1024x1024xf32> -> vector<1024x1024xf32>
    %add3A_238 = vector.broadcast %broadcast_in_dim3A : vector<1x1024xf32> to vector<1024x1024xf32>
    %add3A_239 = vector.broadcast %broadcast_in_dim3A_233 : vector<1024x1xf32> to vector<1024x1024xf32>
    %add3A_240 = arith.addf %add3A_238, %add3A_239 : vector<1024x1024xf32>
    %mul3A_241 = arith.constant 2.000000e+00 : f32
    %mul3A_242 = vector.broadcast %mul3A_241 : f32 to vector<1024x1024xf32>
    %mul3A_243 = arith.mulf %mul3A_242, %dot_general3A_237 : vector<1024x1024xf32>
    %sub3A_244 = arith.subf %add3A_240, %mul3A_243 : vector<1024x1024xf32>
    %reduce_min3A_245 = arith.constant dense<0x7F800000> : vector<1024xf32>
    %reduce_min3A_246 = vector.multi_reduction <minimumf>, %sub3A_244, %reduce_min3A_245 [0] : vector<1024x1024xf32> to vector<1024xf32>
    %broadcast_in_dim3A_247 = vector.shape_cast %reduce_min3A_246 : vector<1024xf32> to vector<1x1024xf32>
    %iota3A_248 = tpu.iota {dimensions = array<i32: 0>} : vector<1024x1024xi32>
    %eq3A_249 = vector.broadcast %broadcast_in_dim3A_247 : vector<1x1024xf32> to vector<1024x1024xf32>
    %eq3A_250 = arith.cmpf oeq, %sub3A_244, %eq3A_249 : vector<1024x1024xf32>
    %jit3A_251 = arith.constant 8192 : i32
    %broadcast_in_dim3A_252 = vector.broadcast %jit3A_251 : i32 to vector<1024x1024xi32>
    %select_n3A_253 = arith.select %eq3A_250, %iota3A_248, %broadcast_in_dim3A_252 : vector<1024x1024xi1>, vector<1024x1024xi32>
    %reduce_min3A_254 = arith.constant dense<2147483647> : vector<1024xi32>
    %reduce_min3A_255 = vector.multi_reduction <minsi>, %select_n3A_253, %reduce_min3A_254 [0] : vector<1024x1024xi32> to vector<1024xi32>
    %broadcast_in_dim3A_256 = vector.shape_cast %reduce_min3A_255 : vector<1024xi32> to vector<1x1024xi32>
    %add3A_257 = arith.constant 6144 : i32
    %add3A_258 = vector.broadcast %add3A_257 : i32 to vector<1x1024xi32>
    %add3A_259 = arith.addi %broadcast_in_dim3A_256, %add3A_258 : vector<1x1024xi32>
    %lt3A_260 = arith.cmpf olt, %broadcast_in_dim3A_247, %convert_element_type3A_226 : vector<1x1024xf32>
    %select_n3A_261 = arith.select %lt3A_260, %add3A_259, %select_n3A_223 : vector<1x1024xi1>, vector<1x1024xi32>
    %select_n3A_262 = arith.select %lt3A_260, %broadcast_in_dim3A_247, %convert_element_type3A_226 : vector<1x1024xi1>, vector<1x1024xf32>
    %convert_element_type3A_263 = arith.truncf %select_n3A_262 : vector<1x1024xf32> to vector<1x1024xbf16>
    %convert_element_type3A_264 = arith.extf %convert_element_type3A_263 : vector<1x1024xbf16> to vector<1x1024xf32>
    %get3A_265 = arith.constant 7168 : index
    %get3A_266 = arith.constant 0 : index
    %get3A_267 = vector.load %arg2[%get3A_265, %get3A_266] : memref<8192x256xf32, #tpu.memory_space<vmem>>, vector<1024x256xf32>
    %mul3A_268 = arith.mulf %get3A_267, %get3A_267 : vector<1024x256xf32>
    %reduce_sum3A_269 = arith.constant dense<0.000000e+00> : vector<1024xf32>
    %reduce_sum3A_270 = vector.multi_reduction <add>, %mul3A_268, %reduce_sum3A_269 [1] : vector<1024x256xf32> to vector<1024xf32>
    %broadcast_in_dim3A_271 = vector.shape_cast %reduce_sum3A_270 : vector<1024xf32> to vector<1024x1xf32>
    %convert_element_type3A_272 = arith.truncf %get3A_267 : vector<1024x256xf32> to vector<1024x256xbf16>
    %convert_element_type3A_273 = arith.truncf %get3A_3 : vector<256x1024xf32> to vector<256x1024xbf16>
    %dot_general3A_274 = arith.constant dense<0.000000e+00> : vector<1024x1024xf32>
    %dot_general3A_275 = tpu.matmul %convert_element_type3A_272, %convert_element_type3A_273, %dot_general3A_274 {dimension_numbers = #tpu.dot_dimension_numbers<[1], [0], [0], [1], [0, 0, 1, 1], [], []>, transpose_lhs_hint = false} : vector<1024x256xbf16>, vector<256x1024xbf16>, vector<1024x1024xf32> -> vector<1024x1024xf32>
    %add3A_276 = vector.broadcast %broadcast_in_dim3A : vector<1x1024xf32> to vector<1024x1024xf32>
    %add3A_277 = vector.broadcast %broadcast_in_dim3A_271 : vector<1024x1xf32> to vector<1024x1024xf32>
    %add3A_278 = arith.addf %add3A_276, %add3A_277 : vector<1024x1024xf32>
    %mul3A_279 = arith.constant 2.000000e+00 : f32
    %mul3A_280 = vector.broadcast %mul3A_279 : f32 to vector<1024x1024xf32>
    %mul3A_281 = arith.mulf %mul3A_280, %dot_general3A_275 : vector<1024x1024xf32>
    %sub3A_282 = arith.subf %add3A_278, %mul3A_281 : vector<1024x1024xf32>
    %reduce_min3A_283 = arith.constant dense<0x7F800000> : vector<1024xf32>
    %reduce_min3A_284 = vector.multi_reduction <minimumf>, %sub3A_282, %reduce_min3A_283 [0] : vector<1024x1024xf32> to vector<1024xf32>
    %broadcast_in_dim3A_285 = vector.shape_cast %reduce_min3A_284 : vector<1024xf32> to vector<1x1024xf32>
    %iota3A_286 = tpu.iota {dimensions = array<i32: 0>} : vector<1024x1024xi32>
    %eq3A_287 = vector.broadcast %broadcast_in_dim3A_285 : vector<1x1024xf32> to vector<1024x1024xf32>
    %eq3A_288 = arith.cmpf oeq, %sub3A_282, %eq3A_287 : vector<1024x1024xf32>
    %jit3A_289 = arith.constant 8192 : i32
    %broadcast_in_dim3A_290 = vector.broadcast %jit3A_289 : i32 to vector<1024x1024xi32>
    %select_n3A_291 = arith.select %eq3A_288, %iota3A_286, %broadcast_in_dim3A_290 : vector<1024x1024xi1>, vector<1024x1024xi32>
    %reduce_min3A_292 = arith.constant dense<2147483647> : vector<1024xi32>
    %reduce_min3A_293 = vector.multi_reduction <minsi>, %select_n3A_291, %reduce_min3A_292 [0] : vector<1024x1024xi32> to vector<1024xi32>
    %broadcast_in_dim3A_294 = vector.shape_cast %reduce_min3A_293 : vector<1024xi32> to vector<1x1024xi32>
    %add3A_295 = arith.constant 7168 : i32
    %add3A_296 = vector.broadcast %add3A_295 : i32 to vector<1x1024xi32>
    %add3A_297 = arith.addi %broadcast_in_dim3A_294, %add3A_296 : vector<1x1024xi32>
    %lt3A_298 = arith.cmpf olt, %broadcast_in_dim3A_285, %convert_element_type3A_264 : vector<1x1024xf32>
    %select_n3A_299 = arith.select %lt3A_298, %add3A_297, %select_n3A_261 : vector<1x1024xi1>, vector<1x1024xi32>
    %select_n3A_300 = arith.select %lt3A_298, %broadcast_in_dim3A_285, %convert_element_type3A_264 : vector<1x1024xi1>, vector<1x1024xf32>
    %convert_element_type3A_301 = arith.truncf %select_n3A_300 : vector<1x1024xf32> to vector<1x1024xbf16>
    %convert_element_type3A_302 = arith.extf %convert_element_type3A_301 : vector<1x1024xbf16> to vector<1x1024xf32>
    %swap3A = arith.constant 0 : index
    %swap3A_303 = arith.constant 0 : index
    %swap3A_304 = arith.constant 0 : index
    %swap3A_305 = vector.load %arg3[%swap3A, %swap3A_303, %swap3A_304] : memref<1x1x1024xi32, #tpu.memory_space<vmem>>, vector<1x1x1024xi32>
    %swap3A_306 = vector.shape_cast %swap3A_305 : vector<1x1x1024xi32> to vector<1x1024xi32>
    %swap3A_307 = vector.shape_cast %select_n3A_299 : vector<1x1024xi32> to vector<1x1x1024xi32>
    tpu.vector_store %arg3[%swap3A, %swap3A_303, %swap3A_304], %swap3A_307 {strides = array<i32>} : memref<1x1x1024xi32, #tpu.memory_space<vmem>>, vector<1x1x1024xi32>,
    %eq3A_308 = arith.constant 0 : i32
    %eq3A_309 = arith.cmpi eq, %arg0, %eq3A_308 : i32
    %convert_element_type3A_310 = arith.extui %eq3A_309 : i1 to i32
    %cond3A = arith.constant 0 : i32
    %cond3A_311 = arith.cmpi ne, %convert_element_type3A_310, %cond3A : i32
    scf.if %cond3A_311 {
      %broadcast_in_dim3A_325 = arith.constant 0.000000e+00 : f32
      %broadcast_in_dim3A_326 = vector.broadcast %broadcast_in_dim3A_325 : f32 to vector<1x1xf32>
      %swap3A_327 = arith.constant 0 : index
      %swap3A_328 = arith.constant 0 : index
      %swap3A_329 = vector.load %arg4[%swap3A_327, %swap3A_328] : memref<1x1xf32, #tpu.memory_space<vmem>>, vector<1x1xf32>
      tpu.vector_store %arg4[%swap3A_327, %swap3A_328], %broadcast_in_dim3A_326 {strides = array<i32>} : memref<1x1xf32, #tpu.memory_space<vmem>>, vector<1x1xf32>,
    } else {
    }
    %get3A_312 = arith.constant 0 : index
    %get3A_313 = arith.constant 0 : index
    %get3A_314 = vector.load %arg4[%get3A_312, %get3A_313] : memref<1x1xf32, #tpu.memory_space<vmem>>, vector<1x1xf32>
    %reduce_sum3A_315 = vector.shape_cast %convert_element_type3A_302 : vector<1x1024xf32> to vector<1x1x1024xf32>
    %reduce_sum3A_316 = arith.constant dense<0.000000e+00> : vector<1xf32>
    %reduce_sum3A_317 = vector.multi_reduction <add>, %reduce_sum3A_315, %reduce_sum3A_316 [1, 2] : vector<1x1x1024xf32> to vector<1xf32>
    %reduce_sum3A_318 = vector.shape_cast %reduce_sum3A_317 : vector<1xf32> to vector<1x1x1xf32>
    %reduce_sum3A_319 = vector.extract %reduce_sum3A_318[0, 0, 0] : f32 from vector<1x1x1xf32>
    %broadcast_in_dim3A_320 = vector.broadcast %reduce_sum3A_319 : f32 to vector<1x1xf32>
    %add3A_321 = arith.addf %get3A_314, %broadcast_in_dim3A_320 : vector<1x1xf32>
    %swap3A_322 = arith.constant 0 : index
    %swap3A_323 = arith.constant 0 : index
    %swap3A_324 = vector.load %arg4[%swap3A_322, %swap3A_323] : memref<1x1xf32, #tpu.memory_space<vmem>>, vector<1x1xf32>
    tpu.vector_store %arg4[%swap3A_322, %swap3A_323], %add3A_321 {strides = array<i32>} : memref<1x1xf32, #tpu.memory_space<vmem>>, vector<1x1xf32>,
    return
  }
  func.func @transform_0(%arg0: i32) -> (i32, i32, i32) {
    %c0_i32 = arith.constant 0 : i32
    %c0_i32_0 = arith.constant 0 : i32
    %c0_i32_1 = arith.constant 0 : i32
    return %arg0, %c0_i32, %c0_i32_0 : i32, i32, i32
  }
  func.func @transform_1(%arg0: i32) -> (i32, i32) {
    %c0_i32 = arith.constant 0 : i32
    %c0_i32_0 = arith.constant 0 : i32
    %c0_i32_1 = arith.constant 0 : i32
    return %c0_i32, %c0_i32_0 : i32, i32
  }
  func.func @transform_2(%arg0: i32) -> (i32, i32, i32) {
    %c0_i32 = arith.constant 0 : i32
    %c0_i32_0 = arith.constant 0 : i32
    %c0_i32_1 = arith.constant 0 : i32
    return %arg0, %c0_i32, %c0_i32_0 : i32, i32, i32
  }
  func.func @transform_3(%arg0: i32) -> (i32, i32) {
    %c0_i32 = arith.constant 0 : i32
    %c0_i32_0 = arith.constant 0 : i32
    %c0_i32_1 = arith.constant 0 : i32
    return %c0_i32, %c0_i32_0 : i32, i32
  }
}

module attributes {stable_mosaic.version = 14 : i64} {
  func.func @_finalize_body(%arg0: memref<1x1xf32, #tpu.memory_space<vmem>>, %arg1: memref<2x8192xf32, #tpu.memory_space<vmem>>, %arg2: memref<1x1xf32, #tpu.memory_space<vmem>>, %arg3: memref<1x1xf32, #tpu.memory_space<vmem>>) attributes {dimension_semantics = [], scalar_prefetch = 0 : i64, scratch_operands = 0 : i64, tpu.core_type = #tpu.core_type<tc>} {
    %get3A = arith.constant 0 : index
    %get3A_0 = arith.constant 0 : index
    %get3A_1 = vector.load %arg1[%get3A, %get3A_0] : memref<2x8192xf32, #tpu.memory_space<vmem>>, vector<1x8192xf32>
    %get3A_2 = arith.constant 1 : index
    %get3A_3 = arith.constant 0 : index
    %get3A_4 = vector.load %arg1[%get3A_2, %get3A_3] : memref<2x8192xf32, #tpu.memory_space<vmem>>, vector<1x8192xf32>
    %add3A = arith.addf %get3A_1, %get3A_4 : vector<1x8192xf32>
    %mul3A = arith.constant 6.10351563E-5 : f32
    %mul3A_5 = vector.broadcast %mul3A : f32 to vector<1x8192xf32>
    %mul3A_6 = arith.mulf %add3A, %mul3A_5 : vector<1x8192xf32>
    %add3A_7 = arith.constant 1.000000e-10 : f32
    %add3A_8 = vector.broadcast %add3A_7 : f32 to vector<1x8192xf32>
    %add3A_9 = arith.addf %mul3A_6, %add3A_8 : vector<1x8192xf32>
    %log3A = math.log %add3A_9 : vector<1x8192xf32>
    %mul3A_10 = arith.mulf %mul3A_6, %log3A : vector<1x8192xf32>
    %reduce_sum3A = vector.shape_cast %mul3A_10 : vector<1x8192xf32> to vector<1x1x8192xf32>
    %reduce_sum3A_11 = arith.constant dense<0.000000e+00> : vector<1xf32>
    %reduce_sum3A_12 = vector.multi_reduction <add>, %reduce_sum3A, %reduce_sum3A_11 [1, 2] : vector<1x1x8192xf32> to vector<1xf32>
    %reduce_sum3A_13 = vector.shape_cast %reduce_sum3A_12 : vector<1xf32> to vector<1x1x1xf32>
    %reduce_sum3A_14 = vector.extract %reduce_sum3A_13[0, 0, 0] : f32 from vector<1x1x1xf32>
    %broadcast_in_dim3A = vector.broadcast %reduce_sum3A_14 : f32 to vector<1x1xf32>
    %neg3A = arith.constant 0.000000e+00 : f32
    %neg3A_15 = vector.broadcast %neg3A : f32 to vector<1x1xf32>
    %neg3A_16 = arith.subf %neg3A_15, %broadcast_in_dim3A : vector<1x1xf32>
    %exp3A = math.exp %neg3A_16 : vector<1x1xf32>
    %swap3A = arith.constant 0 : index
    %swap3A_17 = arith.constant 0 : index
    %swap3A_18 = vector.load %arg3[%swap3A, %swap3A_17] : memref<1x1xf32, #tpu.memory_space<vmem>>, vector<1x1xf32>
    tpu.vector_store %arg3[%swap3A, %swap3A_17], %exp3A {strides = array<i32>} : memref<1x1xf32, #tpu.memory_space<vmem>>, vector<1x1xf32>,
    %get3A_19 = arith.constant 0 : index
    %get3A_20 = arith.constant 0 : index
    %get3A_21 = vector.load %arg0[%get3A_19, %get3A_20] : memref<1x1xf32, #tpu.memory_space<vmem>>, vector<1x1xf32>
    %div3A = arith.constant 0x4A800000 : f32
    %div3A_22 = vector.broadcast %div3A : f32 to vector<1x1xf32>
    %div3A_23 = arith.divf %get3A_21, %div3A_22 : vector<1x1xf32>
    %mul3A_24 = arith.constant 2.500000e-01 : f32
    %mul3A_25 = vector.broadcast %mul3A_24 : f32 to vector<1x1xf32>
    %mul3A_26 = arith.mulf %mul3A_25, %div3A_23 : vector<1x1xf32>
    %swap3A_27 = arith.constant 0 : index
    %swap3A_28 = arith.constant 0 : index
    %swap3A_29 = vector.load %arg2[%swap3A_27, %swap3A_28] : memref<1x1xf32, #tpu.memory_space<vmem>>, vector<1x1xf32>
    tpu.vector_store %arg2[%swap3A_27, %swap3A_28], %mul3A_26 {strides = array<i32>} : memref<1x1xf32, #tpu.memory_space<vmem>>, vector<1x1xf32>,
    return
  }
}

</mosaic_0001>

<sc_bundles>
// kernel: kernel.5.cloned.1.call-start
scs
__scs_entry_jumppad:
0x0: {  	(pc) =	sbr.rel $0x88, $3  }
0x1: {  	(tag) =	ssettag $0x0;
	lr =	simm.s32 $0x1  }
0x2: {  	[smem:$0x3F9F] =	sst lr;
	_ =	strace $0xD0000000  }
0x3: {  	_ = 	snop  }
0x4: {  	_ = 	snop  }
0x5: {  	_ = 	snop  }
0x6: {  	_ = 	snop  }
0x7: {  	_ = 	snop  }
__scs_overlays_trampoline_lowered:
0x8: {  	[smem:$0x3FAE] =	sst s0  }
0x9: {  	[smem:$0x3FAF] =	sst s1  }
0xa: {  	[smem:$0x3FB0] =	sst s2  }
0xb: {  	[smem:$0x3FB1] =	sst s3  }
0xc: {  	[smem:$0x3FB2] =	sst s4  }
0xd: {  	[smem:$0x3FB3] =	sst s5  }
0xe: {  	[smem:$0x3FB4] =	sst s6  }
0xf: {  	[smem:$0x3FB5] =	sst s7  }
0x10: {  	[smem:$0x3FB6] =	sst s8  }
0x11: {  	[smem:$0x3FB7] =	sst s9;
	s0 =	simm.s32 @!p0 $0x0  }
0x12: {  	s1 =	sld [smem:$0x3F9D];
	s0 =	simm.s32 @p0 $0x1  }
0x13: {  	[smem:$0x3FB8] =	sst s0;
	s0 =	simm.s32 @!p1 $0x0  }
0x14: {  	s2 =	sld [smem:$0x3F9C];
	s0 =	simm.s32 @p1 $0x1  }
0x15: {  	[smem:$0x3FB9] =	sst s0;
	s0 =	simm.s32 @!p2 $0x0  }
0x16: {  	s3 =	sld [smem:$0x3FDB];
	s0 =	simm.s32 @p2 $0x1  }
0x17: {  	s4 =	simm.s32 $0x1BF5;
	[smem:$0x3FBB] =	sst s0  }
0x18: {  	s0 =	sld [smem:$0x3F9E];
	_ =	swait.ge [sflag:s4], $0x0  }
0x19: {  	s7 =	sld [smem:$0x3F9F]  }
0x1a: {  	s8 =	sadd.s32 $0xFFFFE003, lr  }
0x1b: {  	s9 =	sadd.s32 $0xFFFFFEF7, lr;
	s5 =	simm.s32 $0xFFFFFFFF;
	p2 =	slt.u32 s8, $0xFFFFF086  }
0x1c: {  	p1 =	slt.u32 s9, $0xF7A;
	s5 =	simm.s32 @!p2 $0x0  }
0x1d: {  	s5 =	simm.s32 @p1 $0x1;
	p0 =	seq.s32 s7, s2  }
0x1e: {  	s7 =	smul.u32 @!p0 $0xF7A, s2;
	p2 =	seq.s32 @!p0 s5, $0x0  }
0x1f: {  	s9 =	smul.u32 $0xF7A, s1;
	s8 =	simm.s32 @!p0 $0x1BF5;
	p2 =	por !p2, p0  }
0x20: {  	[sflag:s8] =	ssyncset.s32 @!p0 $0xFFFFF086;
	s6 =	sadd.s32 @!p0 s3, s7;
	s7 =	simm.s32 @!p0 $0x108  }
0x21: {  	s3 =	sadd.s32 s3, s9;
	s6 =	sadd.s32 @!p0 $0x88, s6;
	s7 =	simm.s32 @p2 $0x1082  }
0x22: {  	[simem:s7], [sflag:s8] =	dma.local @!p0 [hbm:s6], $0xF7A  }
0x23: {  	s9 =	sor.u32 $0xD0000000, s2;
	s6 =	simm.s32 $0x108;
	_ =	swait.ge @!p0 [sflag:s8], $0x0  }
0x24: {  	s3 =	sadd.s32 $0x88, s3;
	s6 =	simm.s32 @!p1 $0x1082;
	[sflag:s4] =	ssyncset.s32 $0xFFFFF086  }
0x25: {  	[simem:s6], [sflag:s4] =	dma.local [hbm:s3], $0xF7A  }
0x26: {  	[smem:$0x3F9F] =	sst s1;
	(tag) =	ssettag s2;
	_ =	strace s9  }
0x27: {  	s1 =	sld [smem:$0x3FAF]  }
0x28: {  	s2 =	sld [smem:$0x3FB0]  }
0x29: {  	s4 =	sld [smem:$0x3FB2]  }
0x2a: {  	p0 =	seq.s32 s5, $0x0;
	s5 =	sld [smem:$0x3FB3]  }
0x2b: {  	s6 =	sld [smem:$0x3FB4]  }
0x2c: {  	s7 =	sld [smem:$0x3FB5]  }
0x2d: {  	s3 =	simm.s32 $0x108;
	s8 =	sld [smem:$0x3FB6]  }
0x2e: {  	s3 =	simm.s32 @!p0 $0x1082;
	s9 =	sld [smem:$0x3FB7]  }
0x2f: {  	lr =	sadd.s32 s0, s3;
	s0 =	sld [smem:$0x3FAE]  }
0x30: {  	s3 =	sld [smem:$0x3FB1]  }
0x31: {  	[smem:$0x3FBA] =	sst s10  }
0x32: {  	s10 =	sld [smem:$0x3FB8];
	_ =	sdelay $0x3  }
0x33: {  	p0 =	seq.s32 s10, $0x1;
	s10 =	sld [smem:$0x3FBA];
	_ =	sdelay $0x3  }
0x34: {  	[smem:$0x3FBA] =	sst s10  }
0x35: {  	s10 =	sld [smem:$0x3FB9];
	_ =	sdelay $0x3  }
0x36: {  	p1 =	seq.s32 s10, $0x1;
	s10 =	sld [smem:$0x3FBA];
	_ =	sdelay $0x3  }
0x37: {  	[smem:$0x3FBA] =	sst s10  }
0x38: {  	s10 =	sld [smem:$0x3FBB]  }
0x39: {  	_ = 	snop;
	(pc) =	sbr.ind lr, $3  }
0x3a: {  	_ = 	snop  }
0x3b: {  	_ = 	snop  }
0x3c: {  	p2 =	seq.s32 s10, $0x1;
	s10 =	sld [smem:$0x3FBA]  }
0x3d: {  	_ =	shalt  }
0x3e: {  	_ =	shalt  }
0x3f: {  	_ =	shalt  }
0x40: {  	_ =	shalt  }
0x41: {  	_ =	shalt  }
0x42: {  	_ =	shalt  }
0x43: {  	_ =	shalt  }
0x44: {  	_ =	shalt  }
0x45: {  	_ =	shalt  }
0x46: {  	_ =	shalt  }
0x47: {  	_ =	shalt  }
0x48: {  	_ =	shalt  }
0x49: {  	_ =	shalt  }
0x4a: {  	_ =	shalt  }
0x4b: {  	_ =	shalt  }
0x4c: {  	_ =	shalt  }
0x4d: {  	_ =	shalt  }
0x4e: {  	_ =	shalt  }
0x4f: {  	_ =	shalt  }
0x50: {  	_ =	shalt  }
0x51: {  	_ =	shalt  }
0x52: {  	_ =	shalt  }
0x53: {  	_ =	shalt  }
0x54: {  	_ =	shalt  }
0x55: {  	_ =	shalt  }
0x56: {  	_ =	shalt  }
0x57: {  	_ =	shalt  }
0x58: {  	_ =	shalt  }
0x59: {  	_ =	shalt  }
0x5a: {  	_ =	shalt  }
0x5b: {  	_ =	shalt  }
0x5c: {  	_ =	shalt  }
0x5d: {  	_ =	shalt  }
0x5e: {  	_ =	shalt  }
0x5f: {  	_ =	shalt  }
0x60: {  	_ =	shalt  }
0x61: {  	_ =	shalt  }
0x62: {  	_ =	shalt  }
0x63: {  	_ =	shalt  }
0x64: {  	_ =	shalt  }
0x65: {  	_ =	shalt  }
0x66: {  	_ =	shalt  }
0x67: {  	_ =	shalt  }
0x68: {  	_ =	shalt  }
0x69: {  	_ =	shalt  }
0x6a: {  	_ =	shalt  }
0x6b: {  	_ =	shalt  }
0x6c: {  	_ =	shalt  }
0x6d: {  	_ =	shalt  }
0x6e: {  	_ =	shalt  }
0x6f: {  	_ =	shalt  }
0x70: {  	_ =	shalt  }
0x71: {  	_ =	shalt  }
0x72: {  	_ =	shalt  }
0x73: {  	_ =	shalt  }
0x74: {  	_ =	shalt  }
0x75: {  	_ =	shalt  }
0x76: {  	_ =	shalt  }
0x77: {  	_ =	shalt  }
0x78: {  	_ =	shalt  }
0x79: {  	_ =	shalt  }
0x7a: {  	_ =	shalt  }
0x7b: {  	_ =	shalt  }
0x7c: {  	_ =	shalt  }
0x7d: {  	_ =	shalt  }
0x7e: {  	_ =	shalt  }
0x7f: {  	_ =	shalt  }
0x80: {  	_ =	shalt  }
0x81: {  	_ =	shalt  }
0x82: {  	_ =	shalt  }
0x83: {  	_ =	shalt  }
0x84: {  	_ =	shalt  }
0x85: {  	_ =	shalt  }
0x86: {  	_ =	shalt  }
0x87: {  	_ =	shalt  }
.Lfunc_end0:
.L_simem_size_0:
called_computation_lowered:
.L_overlay_start_0:
0x88: {  	s2 =	sld [smem:$0x3FD9]  }
0x89: {  	s3 =	sld [smem:$0x3FFE];
	_ =	sdelay $0x1  }
0x8a: {  	s1 =	srdreg.scid  }
0x8b: {  	s0 =	sand.u32 $0x1, s1  }
0x8c: {  	s14 =	sshll.u32 s0, $0xA;
	s2 =	sadd.s32 s3, s2  }
0x8d: {  	s2 =	sadd.s32 s2, s14  }
0x8e: {  	[smem:$0x3FC6] =	sst s2  }
0x8f: {  	_ = 	snop  }
0x90: {  	s2 =	sld [smem:$0x3FD0];
	_ =	sdelay $0x2  }
0x91: {  	s4 =	simm.s32 $0xA;
	s5 =	simm.s32 $0x10;
	s15 =	sld [smem:$0x3FC8]  }
0x92: {  	[smem:s5], [sflag:s4] =	dma.local [hbm:s2], $0x1  }
0x93: {  	_ =	swait.eq [sflag:s4], $0x1  }
0x94: {  	[sflag:s4] =	ssyncset.done $0x0  }
0x95: {  	[sflag:s4] =	ssyncadd.s32 $0xFFFFFFFF  }
0x96: {  	s16 =	sld [smem:$0x11];
	(tm) =	ssettm $0x1  }
0x97: {  	s17 =	sld [smem:$0x3FFB];
	_ =	sdelay $0x3  }
0x98: {  	_ =	strace s17  }
0x99: {  	s4 =	sld [smem:$0x3FFC];
	_ =	sdelay $0x3  }
0x9a: {  	_ =	strace s4  }
0x9b: {  	s4 =	sld [smem:$0x3FFD];
	_ =	sdelay $0x3  }
0x9c: {  	_ =	strace s4  }
0x9d: {  	_ =	strace $0x8FFFFFFF  }
0x9e: {  	s18 =	sld [smem:$0x3FDB];
	_ =	sdelay $0x1  }
0x9f: {  	s19 =	simm.s32 $_scs_section_size  }
0xa0: {  	s6 =	simm.s32 $_size__tile_overlayer_lowered;
	s7 =	simm.s32 $_tile_overlayer_lowered  }
0xa1: {  	s22 =	simm.s32 $0x1BFF;
	s21 =	sshll.u32 s7, $0x1;
	s4 =	sadd.s32 s19, s18  }
0xa2: {  	s8 =	simm.s32 $0x0;
	s20 =	sshll.u32 s6, $0x1;
	s6 =	sadd.s32 s21, s4  }
0xa3: {  	[timem:s8], [sflag:s22] =	dma.local [hbm:s6], s20  }
0xa4: {  	_ =	swait.ge [sflag:s22], s20  }
0xa5: {  	s5 =	ssub.s32 $0x0, s20;
	[sflag:s22] =	ssyncset.done $0x0  }
0xa6: {  	[sflag:s22] =	ssyncadd.s32 s5;
	_ =	sdelay $0x1  }
0xa7: {  	s23 =	simm.s32 $0x1B8B  }
0xa8: {  	_ =	swait.ge [sflag:s23], $0x1  }
0xa9: {  	[sflag:s23] =	ssyncset.done $0x0  }
0xaa: {  	s25 =	simm.s32 $0x1B8E;
	s24 =	sld [smem:$0x3FFE];
	[sflag:s23] =	ssyncadd.s32 $0xFFFFFFFF  }
0xab: {  	s26 =	simm.s32 $execute0_lowered;
	[smem:$0x3FD2] =	sst s25  }
0xac: {  	s6 =	sshll.u32 s26, $0x1;
	_ =	strace $0x80000046;
	[dreg:$0x1] =	wrdreg $0xFFFFFFFF  }
0xad: {  	s28 =	simm.s32 $_size_execute0_lowered;
	s4 =	sadd.s32 s4, s6;
	[dreg:$0x0] =	wrdreg $0x0  }
0xae: {  	s6 =	sshll.u32 s28, $0x1;
	[dreg:$0x2] =	wrdreg s4  }
0xaf: {  	[dreg:$0x3] =	wrdreg s6  }
0xb0: {  	[dreg:$0x4] =	wrdreg $0xC0  }
0xb1: {  	_ =	task [dreg:s8], $0x5FFFF  }
0xb2: {  	[dreg:$0x1] =	wrdreg $0xFFFFFFFF  }
0xb3: {  	[dreg:$0x0] =	wrdreg $0x60  }
0xb4: {  	[dreg:$0x2] =	wrdreg s15  }
0xb5: {  	[dreg:$0x3] =	wrdreg s24  }
0xb6: {  	[dreg:$0x4] =	wrdreg s16  }
0xb7: {  	[dreg:$0x5] =	wrdreg $0xA2800  }
0xb8: {  	[dreg:$0x6] =	wrdreg $0x9  }
0xb9: {  	_ =	task.clear_ibuf [dreg:s8], $0x7FFFF;
	_ =	strace $0x90000046  }
0xba: {  	s29 =	simm.s32 $0x9;
	_ =	strace $0x80000048  }
0xbb: {  	_ =	swait.ge [sflag:s29], $0x1  }
0xbc: {  	[sflag:s29] =	ssyncadd.s32 $0xFFFFFFFF  }
0xbd: {  	_ =	strace $0x90000048  }
0xbe: {  	_ =	sfence  }
0xbf: {  	s30 =	sld [smem:$0x0];
	_ =	sdelay $0x2  }
0xc0: {  	s31 =	sshll.u32 s1, $0xD;
	s1 =	sshrl.u32 s1, $0x2  }
0xc1: {  	s3 =	sand.u32 $0x4000, s31;
	s1 =	sadd.s32 s1, s30  }
0xc2: {  	s0 =	sor.u32 s3, s0;
	s1 =	sshll.u32 s1, $0x11  }
0xc3: {  	s0 =	sor.u32 s1, s0  }
0xc4: {  	s0 =	sadd.s32 $0x8F2B, s0  }
0xc5: {  	[sflag:s0] =	ssyncadd.remote.s32 $0x1  }
0xc6: {  	_ =	sfence.sel $0xFFFF  }
0xc7: {  	[dreg:$0x0] =	wrdreg $0xFFFFFFFF;
	(pc) =	sbr.abs _section_cstart, $3  }
0xc8: {  	[dreg:$0x1] =	wrdreg $0xFFFFFFFF  }
0xc9: {  	_ =	task.clear_ibuf [dreg:s8], $0x2FFFF;
	_ =	strace $0x9FFFFFFF  }
0xca: {  	(tm) =	ssettm $0x7FFFFFFF  }
0xcb: {  	_ =	shalt  }
tec
execute0_lowered:
.L_overlay_start_1:
0x0: {  	(tag) =	ssettag $0x1  }
0x1: {  	s1 =	rddreg [dreg:$0x0]  }
0x2: {  	s0 =	rddreg [dreg:$0x1]  }
0x3: {  	s4 =	rddreg [dreg:$0x2]  }
0x4: {  	s2 =	rddreg [dreg:$0x3]  }
0x5: {  	s5 =	srdreg.scid;
	s3 =	simm.s32 $0x0;
	s11 =	stileid.u32  }
0x6: {  	s13 =	simm.s32 $0x200;
	s14 =	simm.s32 $0xA00;
	s15 =	simm.s32 $0x1200  }
0x7: {  	s16 =	simm.s32 $0x1A00;
	s17 =	simm.s32 $0x2200;
	s18 =	simm.s32 $0x2A00  }
0x8: {  	s19 =	simm.s32 $0x3200;
	s20 =	simm.s32 $0x3A00;
	s21 =	simm.s32 $0x4200  }
0x9: {  	s22 =	simm.s32 $0x4A00;
	s28 =	simm.s32 $0x7200;
	s29 =	simm.s32 $0x7A00  }
0xa: {  	s30 =	simm.s32 $0x1;
	s31 =	simm.s32 $0x80;
	s12 =	simm.s32 $0x0  }
0xb: {  	s5 =	sand.u32 $0x1, s5;
	[smem:$0x7FF] =	sst s3;
	s8 =	sshll.u32 s11, $0x7  }
0xc: {  	s9 =	sshll.u32 s11, $0xF;
	p0 =	sne.s32 s11, $0x0;
	s6 =	sshll.u32 s5, $0x6  }
0xd: {  	_ =	strace $0x80000047;
	s7 =	sshll.u32 s5, $0x4;
	s23 =	ssub.s32 $0x2, s5  }
0xe: {  	s5 =	sshll.u32 s5, $0xE;
	s6 =	sadd.s32 s6, s0;
	s0 =	sadd.s32 s7, s0  }
0xf: {  	s5 =	sor.u32 s5, s9;
	s6 =	sadd.s32 s8, s6;
	s0 =	sadd.s32 $0x1A00, s0  }
0x10: {  	s5 =	sadd.s32 s4, s5;
	s6 =	sadd.s32 $0x1200, s6;
	[dreg:$0x9] =	wrdreg s0  }
0x11: {  	s10 =	sshrl.u32 s23, $0x1;
	s4 =	sadd.s32 $0x1000, s5;
	[dreg:$0x5] =	wrdreg s6  }
.Ltmp0:
0x12: {  	s24 =	sadd.s32 $0x2000, s5;
	[dreg:$0x6] =	wrdreg s4;
	(pc) =	sbr.rel .LBB2_1-.Ltmp0, $4  }
0x13: {  	s10 =	ssub.s32 s23, s10;
	s25 =	sadd.s32 $0x3000, s5;
	[dreg:$0x7] =	wrdreg s24  }
0x14: {  	v0 =	vimm.f32 $1.000000000e+00;
	v4 =	vlaneseq.u32;
	s11 =	simm.s32 $0x2;
	s26 =	smax.u32 s10, $0x1;
	[dreg:$0x8] =	wrdreg s25  }
0x15: {  	v1 =	vimm.f32 $0.0e+00;
	vm0 =	vmmov $0xffff;
	v3 =	vshrl.u32 v4, $0x3;
	s23 =	simm.s32 $0x5200;
	s0 =	simm.s32 $0x8200;
	[dreg:$0xa] =	wrdreg s26  }
0x16: {  	v2 =	vand.u32 $0x7, v4;
	v4 =	vor.u32 $0x8, v4;
	v3 =	vmul.u32 $0x8, v3;
	s24 =	simm.s32 $0x5A00;
	s25 =	simm.s32 $0x6200;
	s26 =	simm.s32 $0x6A00  }
.LBB2_5:
0x17: {  	[bflag:$0x0] =	sbarrier.arrive $0xFFFF  }
0x18: {  	v5 =	vld [tilespmem:$0x0];
	_ =	sdelay $0x4  }
0x19: {  	v6 =	vshll.u32 v5, $0x1  }
0x1a: {  	v5 =	vand.u32 $0x7, v5;
	v6 =	vand.u32 $0xFFFFFFF0, v6  }
0x1b: {  	v5 =	vor.u32 v5, v6  }
0x1c: {  	v6 =	vperm.xlane v5, v2;
	_ =	sdelay $0x1  }
0x1d: {  	v5 =	vperm.xlane v5, v4;
	v6 =	vadd.s32 v3, v6;
	_ =	sdelay $0x1  }
0x1e: {  	v5 =	vadd.s32 v3, v5;
	_ =	sdelay $0x2  }
0x1f: {  	[tilespmem:s13], [sflag:$0x1] =	stream.indirect_vreg.gather [hbm4b:s1+s3], $0x80, v6, vm0, $0xb8;
	[tilespmem:$0xA480] =	vst v63  }
0x20: {  	_ = 	snop  }
0x21: {  	[tilespmem:s14], [sflag:$0x1] =	stream.indirect_vreg.gather [hbm4b:s1+s3], $0x80, v5, vm0, $0xb8;
	[tilespmem:$0xA480] =	vst v63  }
0x22: {  	v5 =	vld [tilespmem:$0x10];
	_ =	sdelay $0x4  }
0x23: {  	v6 =	vshll.u32 v5, $0x1  }
0x24: {  	v5 =	vand.u32 $0x7, v5;
	v6 =	vand.u32 $0xFFFFFFF0, v6  }
0x25: {  	v5 =	vor.u32 v5, v6  }
0x26: {  	v6 =	vperm.xlane v5, v2;
	_ =	sdelay $0x1  }
0x27: {  	v5 =	vperm.xlane v5, v4;
	v6 =	vadd.s32 v3, v6;
	_ =	sdelay $0x1  }
0x28: {  	v5 =	vadd.s32 v3, v5;
	_ =	sdelay $0x2  }
0x29: {  	[tilespmem:s15], [sflag:$0x1] =	stream.indirect_vreg.gather [hbm4b:s1+s3], $0x80, v6, vm0, $0xb8;
	[tilespmem:$0xA480] =	vst v63  }
0x2a: {  	_ = 	snop  }
0x2b: {  	[tilespmem:s16], [sflag:$0x1] =	stream.indirect_vreg.gather [hbm4b:s1+s3], $0x80, v5, vm0, $0xb8;
	[tilespmem:$0xA480] =	vst v63  }
0x2c: {  	v5 =	vld [tilespmem:$0x20];
	_ =	sdelay $0x4  }
0x2d: {  	v6 =	vshll.u32 v5, $0x1  }
0x2e: {  	v5 =	vand.u32 $0x7, v5;
	v6 =	vand.u32 $0xFFFFFFF0, v6  }
0x2f: {  	v5 =	vor.u32 v5, v6  }
0x30: {  	v6 =	vperm.xlane v5, v2;
	_ =	sdelay $0x1  }
0x31: {  	v5 =	vperm.xlane v5, v4;
	v6 =	vadd.s32 v3, v6;
	_ =	sdelay $0x1  }
0x32: {  	v5 =	vadd.s32 v3, v5;
	_ =	sdelay $0x2  }
0x33: {  	[tilespmem:s17], [sflag:$0x1] =	stream.indirect_vreg.gather [hbm4b:s1+s3], $0x80, v6, vm0, $0xb8;
	[tilespmem:$0xA480] =	vst v63  }
0x34: {  	_ = 	snop  }
0x35: {  	[tilespmem:s18], [sflag:$0x1] =	stream.indirect_vreg.gather [hbm4b:s1+s3], $0x80, v5, vm0, $0xb8;
	[tilespmem:$0xA480] =	vst v63  }
0x36: {  	v5 =	vld [tilespmem:$0x30];
	_ =	sdelay $0x4  }
0x37: {  	v6 =	vshll.u32 v5, $0x1  }
0x38: {  	v5 =	vand.u32 $0x7, v5;
	v6 =	vand.u32 $0xFFFFFFF0, v6  }
0x39: {  	v5 =	vor.u32 v5, v6  }
0x3a: {  	v6 =	vperm.xlane v5, v2;
	_ =	sdelay $0x1  }
0x3b: {  	v5 =	vperm.xlane v5, v4;
	v6 =	vadd.s32 v3, v6;
	_ =	sdelay $0x1  }
0x3c: {  	v5 =	vadd.s32 v3, v5;
	_ =	sdelay $0x2  }
0x3d: {  	[tilespmem:s19], [sflag:$0x1] =	stream.indirect_vreg.gather [hbm4b:s1+s3], $0x80, v6, vm0, $0xb8;
	[tilespmem:$0xA480] =	vst v63  }
0x3e: {  	_ = 	snop  }
0x3f: {  	[tilespmem:s20], [sflag:$0x1] =	stream.indirect_vreg.gather [hbm4b:s1+s3], $0x80, v5, vm0, $0xb8;
	[tilespmem:$0xA480] =	vst v63  }
0x40: {  	v5 =	vld [tilespmem:$0x40];
	_ =	sdelay $0x4  }
0x41: {  	v6 =	vshll.u32 v5, $0x1  }
0x42: {  	v5 =	vand.u32 $0x7, v5;
	v6 =	vand.u32 $0xFFFFFFF0, v6  }
0x43: {  	v5 =	vor.u32 v5, v6  }
0x44: {  	v6 =	vperm.xlane v5, v2;
	_ =	sdelay $0x1  }
0x45: {  	v5 =	vperm.xlane v5, v4;
	v6 =	vadd.s32 v3, v6;
	_ =	sdelay $0x1  }
0x46: {  	v5 =	vadd.s32 v3, v5;
	_ =	sdelay $0x2  }
0x47: {  	[tilespmem:s21], [sflag:$0x1] =	stream.indirect_vreg.gather [hbm4b:s1+s3], $0x80, v6, vm0, $0xb8;
	[tilespmem:$0xA480] =	vst v63  }
0x48: {  	_ = 	snop  }
0x49: {  	[tilespmem:s22], [sflag:$0x1] =	stream.indirect_vreg.gather [hbm4b:s1+s3], $0x80, v5, vm0, $0xb8;
	[tilespmem:$0xA480] =	vst v63  }
0x4a: {  	v5 =	vld [tilespmem:$0x50];
	_ =	sdelay $0x4  }
0x4b: {  	v6 =	vshll.u32 v5, $0x1  }
0x4c: {  	v5 =	vand.u32 $0x7, v5;
	v6 =	vand.u32 $0xFFFFFFF0, v6  }
0x4d: {  	v5 =	vor.u32 v5, v6  }
0x4e: {  	v6 =	vperm.xlane v5, v2;
	_ =	sdelay $0x1  }
0x4f: {  	v5 =	vperm.xlane v5, v4;
	v6 =	vadd.s32 v3, v6;
	_ =	sdelay $0x1  }
0x50: {  	v5 =	vadd.s32 v3, v5;
	_ =	sdelay $0x2  }
0x51: {  	[tilespmem:s23], [sflag:$0x1] =	stream.indirect_vreg.gather [hbm4b:s1+s3], $0x80, v6, vm0, $0xb8;
	[tilespmem:$0xA480] =	vst v63  }
0x52: {  	_ = 	snop  }
0x53: {  	[tilespmem:s24], [sflag:$0x1] =	stream.indirect_vreg.gather [hbm4b:s1+s3], $0x80, v5, vm0, $0xb8;
	[tilespmem:$0xA480] =	vst v63  }
0x54: {  	v5 =	vld [tilespmem:$0x60];
	_ =	sdelay $0x4  }
0x55: {  	v6 =	vshll.u32 v5, $0x1  }
0x56: {  	v5 =	vand.u32 $0x7, v5;
	v6 =	vand.u32 $0xFFFFFFF0, v6  }
0x57: {  	v5 =	vor.u32 v5, v6  }
0x58: {  	v6 =	vperm.xlane v5, v2;
	_ =	sdelay $0x1  }
0x59: {  	v5 =	vperm.xlane v5, v4;
	v6 =	vadd.s32 v3, v6;
	_ =	sdelay $0x1  }
0x5a: {  	v5 =	vadd.s32 v3, v5;
	_ =	sdelay $0x2  }
0x5b: {  	[tilespmem:s25], [sflag:$0x1] =	stream.indirect_vreg.gather [hbm4b:s1+s3], $0x80, v6, vm0, $0xb8;
	[tilespmem:$0xA480] =	vst v63  }
0x5c: {  	_ = 	snop  }
0x5d: {  	[tilespmem:s26], [sflag:$0x1] =	stream.indirect_vreg.gather [hbm4b:s1+s3], $0x80, v5, vm0, $0xb8;
	[tilespmem:$0xA480] =	vst v63  }
0x5e: {  	v5 =	vld [tilespmem:$0x70];
	_ =	sdelay $0x4  }
0x5f: {  	v6 =	vshll.u32 v5, $0x1  }
0x60: {  	v5 =	vand.u32 $0x7, v5;
	v6 =	vand.u32 $0xFFFFFFF0, v6  }
0x61: {  	v5 =	vor.u32 v5, v6  }
0x62: {  	v6 =	vperm.xlane v5, v2;
	_ =	sdelay $0x1  }
0x63: {  	v5 =	vperm.xlane v5, v4;
	v6 =	vadd.s32 v3, v6;
	_ =	sdelay $0x1  }
0x64: {  	v5 =	vadd.s32 v3, v5;
	_ =	sdelay $0x2  }
0x65: {  	[tilespmem:s28], [sflag:$0x1] =	stream.indirect_vreg.gather [hbm4b:s1+s3], $0x80, v6, vm0, $0xb8;
	[tilespmem:$0xA480] =	vst v63  }
0x66: {  	_ = 	snop  }
0x67: {  	[tilespmem:s29], [sflag:$0x1] =	stream.indirect_vreg.gather [hbm4b:s1+s3], $0x80, v5, vm0, $0xb8;
	[tilespmem:$0xA480] =	vst v63  }
0x68: {  	_ =	swait.ge [sflag:s30], $0x8000  }
0x69: {  	[sflag:s30] =	ssyncset.done $0x0  }
0x6a: {  	[sflag:s30] =	ssyncadd.s32 $0xFFFF8000  }
0x6b: {  	[hbm4b:s5+s3] =	stream.linear.scatter [tilespmem:s13], [sflag:$0x2], $0x8000, $0x38;
	[tilespmem:$0xA480] =	vst v63  }
0x6c: {  	_ =	swait.ge [sflag:s11], $0x8000  }
0x6d: {  	[sflag:s11] =	ssyncset.done $0x0  }
0x6e: {  	[sflag:s11] =	ssyncadd.s32 $0xFFFF8000  }
0x6f: {  	[spmem:s2] =	stream.indirect.scatter.add.f32 [tilespmem:s0], [sflag:$0x2], $0x1, s3, s31, $0xb8;
	[tilespmem:$0xA480] =	vst v63  }
0x70: {  	_ =	swait.ge [sflag:s11], $0x80  }
0x71: {  	[sflag:s11] =	ssyncset.done $0x0  }
0x72: {  	[sflag:s11] =	ssyncadd.s32 $0xFFFFFF80  }
0x73: {  	v5 =	vld [tilespmem:$0x80];
	_ =	sdelay $0x4  }
0x74: {  	v6 =	vshll.u32 v5, $0x1  }
0x75: {  	v5 =	vand.u32 $0x7, v5;
	v6 =	vand.u32 $0xFFFFFFF0, v6  }
0x76: {  	v5 =	vor.u32 v5, v6  }
0x77: {  	v6 =	vperm.xlane v5, v2;
	_ =	sdelay $0x1  }
0x78: {  	v5 =	vperm.xlane v5, v4;
	v6 =	vadd.s32 v3, v6;
	_ =	sdelay $0x1  }
0x79: {  	v5 =	vadd.s32 v3, v5;
	_ =	sdelay $0x2  }
0x7a: {  	[tilespmem:s13], [sflag:$0x1] =	stream.indirect_vreg.gather [hbm4b:s1+s3], $0x80, v6, vm0, $0xb8;
	[tilespmem:$0xA480] =	vst v63  }
0x7b: {  	_ = 	snop  }
0x7c: {  	[tilespmem:s14], [sflag:$0x1] =	stream.indirect_vreg.gather [hbm4b:s1+s3], $0x80, v5, vm0, $0xb8;
	[tilespmem:$0xA480] =	vst v63  }
0x7d: {  	v5 =	vld [tilespmem:$0x90];
	_ =	sdelay $0x4  }
0x7e: {  	v6 =	vshll.u32 v5, $0x1  }
0x7f: {  	v5 =	vand.u32 $0x7, v5;
	v6 =	vand.u32 $0xFFFFFFF0, v6  }
0x80: {  	v5 =	vor.u32 v5, v6  }
0x81: {  	v6 =	vperm.xlane v5, v2;
	_ =	sdelay $0x1  }
0x82: {  	v5 =	vperm.xlane v5, v4;
	v6 =	vadd.s32 v3, v6;
	_ =	sdelay $0x1  }
0x83: {  	v5 =	vadd.s32 v3, v5;
	_ =	sdelay $0x2  }
0x84: {  	[tilespmem:s15], [sflag:$0x1] =	stream.indirect_vreg.gather [hbm4b:s1+s3], $0x80, v6, vm0, $0xb8;
	[tilespmem:$0xA480] =	vst v63  }
0x85: {  	_ = 	snop  }
0x86: {  	[tilespmem:s16], [sflag:$0x1] =	stream.indirect_vreg.gather [hbm4b:s1+s3], $0x80, v5, vm0, $0xb8;
	[tilespmem:$0xA480] =	vst v63  }
0x87: {  	v5 =	vld [tilespmem:$0xA0];
	_ =	sdelay $0x4  }
0x88: {  	v6 =	vshll.u32 v5, $0x1  }
0x89: {  	v5 =	vand.u32 $0x7, v5;
	v6 =	vand.u32 $0xFFFFFFF0, v6  }
0x8a: {  	v5 =	vor.u32 v5, v6  }
0x8b: {  	v6 =	vperm.xlane v5, v2;
	_ =	sdelay $0x1  }
0x8c: {  	v5 =	vperm.xlane v5, v4;
	v6 =	vadd.s32 v3, v6;
	_ =	sdelay $0x1  }
0x8d: {  	v5 =	vadd.s32 v3, v5;
	_ =	sdelay $0x2  }
0x8e: {  	[tilespmem:s17], [sflag:$0x1] =	stream.indirect_vreg.gather [hbm4b:s1+s3], $0x80, v6, vm0, $0xb8;
	[tilespmem:$0xA480] =	vst v63  }
0x8f: {  	_ = 	snop  }
0x90: {  	[tilespmem:s18], [sflag:$0x1] =	stream.indirect_vreg.gather [hbm4b:s1+s3], $0x80, v5, vm0, $0xb8;
	[tilespmem:$0xA480] =	vst v63  }
0x91: {  	v5 =	vld [tilespmem:$0xB0];
	_ =	sdelay $0x4  }
0x92: {  	v6 =	vshll.u32 v5, $0x1  }
0x93: {  	v5 =	vand.u32 $0x7, v5;
	v6 =	vand.u32 $0xFFFFFFF0, v6  }
0x94: {  	v5 =	vor.u32 v5, v6  }
0x95: {  	v6 =	vperm.xlane v5, v2;
	_ =	sdelay $0x1  }
0x96: {  	v5 =	vperm.xlane v5, v4;
	v6 =	vadd.s32 v3, v6;
	_ =	sdelay $0x1  }
0x97: {  	v5 =	vadd.s32 v3, v5;
	_ =	sdelay $0x2  }
0x98: {  	[tilespmem:s19], [sflag:$0x1] =	stream.indirect_vreg.gather [hbm4b:s1+s3], $0x80, v6, vm0, $0xb8;
	[tilespmem:$0xA480] =	vst v63  }
0x99: {  	_ = 	snop  }
0x9a: {  	[tilespmem:s20], [sflag:$0x1] =	stream.indirect_vreg.gather [hbm4b:s1+s3], $0x80, v5, vm0, $0xb8;
	[tilespmem:$0xA480] =	vst v63  }
0x9b: {  	v5 =	vld [tilespmem:$0xC0];
	_ =	sdelay $0x4  }
0x9c: {  	v6 =	vshll.u32 v5, $0x1  }
0x9d: {  	v5 =	vand.u32 $0x7, v5;
	v6 =	vand.u32 $0xFFFFFFF0, v6  }
0x9e: {  	v5 =	vor.u32 v5, v6  }
0x9f: {  	v6 =	vperm.xlane v5, v2;
	_ =	sdelay $0x1  }
0xa0: {  	v5 =	vperm.xlane v5, v4;
	v6 =	vadd.s32 v3, v6;
	_ =	sdelay $0x1  }
0xa1: {  	v5 =	vadd.s32 v3, v5;
	_ =	sdelay $0x2  }
0xa2: {  	[tilespmem:s21], [sflag:$0x1] =	stream.indirect_vreg.gather [hbm4b:s1+s3], $0x80, v6, vm0, $0xb8;
	[tilespmem:$0xA480] =	vst v63  }
0xa3: {  	_ = 	snop  }
0xa4: {  	[tilespmem:s22], [sflag:$0x1] =	stream.indirect_vreg.gather [hbm4b:s1+s3], $0x80, v5, vm0, $0xb8;
	[tilespmem:$0xA480] =	vst v63  }
0xa5: {  	v5 =	vld [tilespmem:$0xD0];
	_ =	sdelay $0x4  }
0xa6: {  	v6 =	vshll.u32 v5, $0x1  }
0xa7: {  	v5 =	vand.u32 $0x7, v5;
	v6 =	vand.u32 $0xFFFFFFF0, v6  }
0xa8: {  	v5 =	vor.u32 v5, v6  }
0xa9: {  	v6 =	vperm.xlane v5, v2;
	_ =	sdelay $0x1  }
0xaa: {  	v5 =	vperm.xlane v5, v4;
	v6 =	vadd.s32 v3, v6;
	_ =	sdelay $0x1  }
0xab: {  	v5 =	vadd.s32 v3, v5;
	_ =	sdelay $0x2  }
0xac: {  	[tilespmem:s23], [sflag:$0x1] =	stream.indirect_vreg.gather [hbm4b:s1+s3], $0x80, v6, vm0, $0xb8;
	[tilespmem:$0xA480] =	vst v63  }
0xad: {  	_ = 	snop  }
0xae: {  	[tilespmem:s24], [sflag:$0x1] =	stream.indirect_vreg.gather [hbm4b:s1+s3], $0x80, v5, vm0, $0xb8;
	[tilespmem:$0xA480] =	vst v63  }
0xaf: {  	v5 =	vld [tilespmem:$0xE0];
	_ =	sdelay $0x4  }
0xb0: {  	v6 =	vshll.u32 v5, $0x1  }
0xb1: {  	v5 =	vand.u32 $0x7, v5;
	v6 =	vand.u32 $0xFFFFFFF0, v6  }
0xb2: {  	v5 =	vor.u32 v5, v6  }
0xb3: {  	v6 =	vperm.xlane v5, v2;
	_ =	sdelay $0x1  }
0xb4: {  	v5 =	vperm.xlane v5, v4;
	v6 =	vadd.s32 v3, v6;
	_ =	sdelay $0x1  }
0xb5: {  	v5 =	vadd.s32 v3, v5;
	_ =	sdelay $0x2  }
0xb6: {  	[tilespmem:s25], [sflag:$0x1] =	stream.indirect_vreg.gather [hbm4b:s1+s3], $0x80, v6, vm0, $0xb8;
	[tilespmem:$0xA480] =	vst v63  }
0xb7: {  	_ = 	snop  }
0xb8: {  	[tilespmem:s26], [sflag:$0x1] =	stream.indirect_vreg.gather [hbm4b:s1+s3], $0x80, v5, vm0, $0xb8;
	[tilespmem:$0xA480] =	vst v63  }
0xb9: {  	v5 =	vld [tilespmem:$0xF0];
	_ =	sdelay $0x4  }
0xba: {  	v6 =	vshll.u32 v5, $0x1  }
0xbb: {  	v5 =	vand.u32 $0x7, v5;
	v6 =	vand.u32 $0xFFFFFFF0, v6  }
0xbc: {  	v5 =	vor.u32 v5, v6  }
0xbd: {  	v6 =	vperm.xlane v5, v2;
	_ =	sdelay $0x1  }
0xbe: {  	v5 =	vperm.xlane v5, v4;
	v6 =	vadd.s32 v3, v6;
	_ =	sdelay $0x1  }
0xbf: {  	v5 =	vadd.s32 v3, v5;
	_ =	sdelay $0x2  }
0xc0: {  	[tilespmem:s28], [sflag:$0x1] =	stream.indirect_vreg.gather [hbm4b:s1+s3], $0x80, v6, vm0, $0xb8;
	[tilespmem:$0xA480] =	vst v63  }
0xc1: {  	_ = 	snop  }
0xc2: {  	[tilespmem:s29], [sflag:$0x1] =	stream.indirect_vreg.gather [hbm4b:s1+s3], $0x80, v5, vm0, $0xb8;
	[tilespmem:$0xA480] =	vst v63  }
0xc3: {  	_ =	swait.ge [sflag:s30], $0x8000  }
0xc4: {  	[sflag:s30] =	ssyncset.done $0x0  }
0xc5: {  	s4 =	rddreg [dreg:$0x6];
	[sflag:s30] =	ssyncadd.s32 $0xFFFF8000  }
0xc6: {  	[hbm4b:s4+s3] =	stream.linear.scatter [tilespmem:s13], [sflag:$0x2], $0x8000, $0x38;
	[tilespmem:$0xA480] =	vst v63  }
0xc7: {  	_ =	swait.ge [sflag:s11], $0x8000  }
0xc8: {  	[sflag:s11] =	ssyncset.done $0x0  }
0xc9: {  	[sflag:s11] =	ssyncadd.s32 $0xFFFF8000  }
0xca: {  	[spmem:s2] =	stream.indirect.scatter.add.f32 [tilespmem:s0], [sflag:$0x2], $0x1, s31, s31, $0xb8;
	[tilespmem:$0xA480] =	vst v63  }
0xcb: {  	_ =	swait.ge [sflag:s11], $0x80  }
0xcc: {  	[sflag:s11] =	ssyncset.done $0x0  }
0xcd: {  	[sflag:s11] =	ssyncadd.s32 $0xFFFFFF80  }
0xce: {  	v5 =	vld [tilespmem:$0x100];
	_ =	sdelay $0x4  }
0xcf: {  	v6 =	vshll.u32 v5, $0x1  }
0xd0: {  	v5 =	vand.u32 $0x7, v5;
	v6 =	vand.u32 $0xFFFFFFF0, v6  }
0xd1: {  	v5 =	vor.u32 v5, v6  }
0xd2: {  	v6 =	vperm.xlane v5, v2;
	_ =	sdelay $0x1  }
0xd3: {  	v5 =	vperm.xlane v5, v4;
	v6 =	vadd.s32 v3, v6;
	_ =	sdelay $0x1  }
0xd4: {  	v5 =	vadd.s32 v3, v5;
	_ =	sdelay $0x2  }
0xd5: {  	[tilespmem:s13], [sflag:$0x1] =	stream.indirect_vreg.gather [hbm4b:s1+s3], $0x80, v6, vm0, $0xb8;
	[tilespmem:$0xA480] =	vst v63  }
0xd6: {  	_ = 	snop  }
0xd7: {  	[tilespmem:s14], [sflag:$0x1] =	stream.indirect_vreg.gather [hbm4b:s1+s3], $0x80, v5, vm0, $0xb8;
	[tilespmem:$0xA480] =	vst v63  }
0xd8: {  	v5 =	vld [tilespmem:$0x110];
	_ =	sdelay $0x4  }
0xd9: {  	v6 =	vshll.u32 v5, $0x1  }
0xda: {  	v5 =	vand.u32 $0x7, v5;
	v6 =	vand.u32 $0xFFFFFFF0, v6  }
0xdb: {  	v5 =	vor.u32 v5, v6  }
0xdc: {  	v6 =	vperm.xlane v5, v2;
	_ =	sdelay $0x1  }
0xdd: {  	v5 =	vperm.xlane v5, v4;
	v6 =	vadd.s32 v3, v6;
	_ =	sdelay $0x1  }
0xde: {  	v5 =	vadd.s32 v3, v5;
	_ =	sdelay $0x2  }
0xdf: {  	[tilespmem:s15], [sflag:$0x1] =	stream.indirect_vreg.gather [hbm4b:s1+s3], $0x80, v6, vm0, $0xb8;
	[tilespmem:$0xA480] =	vst v63  }
0xe0: {  	_ = 	snop  }
0xe1: {  	[tilespmem:s16], [sflag:$0x1] =	stream.indirect_vreg.gather [hbm4b:s1+s3], $0x80, v5, vm0, $0xb8;
	[tilespmem:$0xA480] =	vst v63  }
0xe2: {  	v5 =	vld [tilespmem:$0x120];
	_ =	sdelay $0x4  }
0xe3: {  	v6 =	vshll.u32 v5, $0x1  }
0xe4: {  	v5 =	vand.u32 $0x7, v5;
	v6 =	vand.u32 $0xFFFFFFF0, v6  }
0xe5: {  	v5 =	vor.u32 v5, v6  }
0xe6: {  	v6 =	vperm.xlane v5, v2;
	_ =	sdelay $0x1  }
0xe7: {  	v5 =	vperm.xlane v5, v4;
	v6 =	vadd.s32 v3, v6;
	_ =	sdelay $0x1  }
0xe8: {  	v5 =	vadd.s32 v3, v5;
	_ =	sdelay $0x2  }
0xe9: {  	[tilespmem:s17], [sflag:$0x1] =	stream.indirect_vreg.gather [hbm4b:s1+s3], $0x80, v6, vm0, $0xb8;
	[tilespmem:$0xA480] =	vst v63  }
0xea: {  	_ = 	snop  }
0xeb: {  	[tilespmem:s18], [sflag:$0x1] =	stream.indirect_vreg.gather [hbm4b:s1+s3], $0x80, v5, vm0, $0xb8;
	[tilespmem:$0xA480] =	vst v63  }
0xec: {  	v5 =	vld [tilespmem:$0x130];
	_ =	sdelay $0x4  }
0xed: {  	v6 =	vshll.u32 v5, $0x1  }
0xee: {  	v5 =	vand.u32 $0x7, v5;
	v6 =	vand.u32 $0xFFFFFFF0, v6  }
0xef: {  	v5 =	vor.u32 v5, v6  }
0xf0: {  	v6 =	vperm.xlane v5, v2;
	_ =	sdelay $0x1  }
0xf1: {  	v5 =	vperm.xlane v5, v4;
	v6 =	vadd.s32 v3, v6;
	_ =	sdelay $0x1  }
0xf2: {  	v5 =	vadd.s32 v3, v5;
	_ =	sdelay $0x2  }
0xf3: {  	[tilespmem:s19], [sflag:$0x1] =	stream.indirect_vreg.gather [hbm4b:s1+s3], $0x80, v6, vm0, $0xb8;
	[tilespmem:$0xA480] =	vst v63  }
0xf4: {  	_ = 	snop  }
0xf5: {  	[tilespmem:s20], [sflag:$0x1] =	stream.indirect_vreg.gather [hbm4b:s1+s3], $0x80, v5, vm0, $0xb8;
	[tilespmem:$0xA480] =	vst v63  }
0xf6: {  	v5 =	vld [tilespmem:$0x140];
	_ =	sdelay $0x4  }
0xf7: {  	v6 =	vshll.u32 v5, $0x1  }
0xf8: {  	v5 =	vand.u32 $0x7, v5;
	v6 =	vand.u32 $0xFFFFFFF0, v6  }
0xf9: {  	v5 =	vor.u32 v5, v6  }
0xfa: {  	v6 =	vperm.xlane v5, v2;
	_ =	sdelay $0x1  }
0xfb: {  	v5 =	vperm.xlane v5, v4;
	v6 =	vadd.s32 v3, v6;
	_ =	sdelay $0x1  }
0xfc: {  	v5 =	vadd.s32 v3, v5;
	_ =	sdelay $0x2  }
0xfd: {  	[tilespmem:s21], [sflag:$0x1] =	stream.indirect_vreg.gather [hbm4b:s1+s3], $0x80, v6, vm0, $0xb8;
	[tilespmem:$0xA480] =	vst v63  }
0xfe: {  	_ = 	snop  }
0xff: {  	[tilespmem:s22], [sflag:$0x1] =	stream.indirect_vreg.gather [hbm4b:s1+s3], $0x80, v5, vm0, $0xb8;
	[tilespmem:$0xA480] =	vst v63  }
0x100: {  	v5 =	vld [tilespmem:$0x150];
	_ =	sdelay $0x4  }
0x101: {  	v6 =	vshll.u32 v5, $0x1  }
0x102: {  	v5 =	vand.u32 $0x7, v5;
	v6 =	vand.u32 $0xFFFFFFF0, v6  }
0x103: {  	v5 =	vor.u32 v5, v6  }
0x104: {  	v6 =	vperm.xlane v5, v2;
	_ =	sdelay $0x1  }
0x105: {  	v5 =	vperm.xlane v5, v4;
	v6 =	vadd.s32 v3, v6;
	_ =	sdelay $0x1  }
0x106: {  	v5 =	vadd.s32 v3, v5;
	_ =	sdelay $0x2  }
0x107: {  	[tilespmem:s23], [sflag:$0x1] =	stream.indirect_vreg.gather [hbm4b:s1+s3], $0x80, v6, vm0, $0xb8;
	[tilespmem:$0xA480] =	vst v63  }
0x108: {  	_ = 	snop  }
0x109: {  	[tilespmem:s24], [sflag:$0x1] =	stream.indirect_vreg.gather [hbm4b:s1+s3], $0x80, v5, vm0, $0xb8;
	[tilespmem:$0xA480] =	vst v63  }
0x10a: {  	v5 =	vld [tilespmem:$0x160];
	_ =	sdelay $0x4  }
0x10b: {  	v6 =	vshll.u32 v5, $0x1  }
0x10c: {  	v5 =	vand.u32 $0x7, v5;
	v6 =	vand.u32 $0xFFFFFFF0, v6  }
0x10d: {  	v5 =	vor.u32 v5, v6  }
0x10e: {  	v6 =	vperm.xlane v5, v2;
	_ =	sdelay $0x1  }
0x10f: {  	v5 =	vperm.xlane v5, v4;
	v6 =	vadd.s32 v3, v6;
	_ =	sdelay $0x1  }
0x110: {  	v5 =	vadd.s32 v3, v5;
	_ =	sdelay $0x2  }
0x111: {  	[tilespmem:s25], [sflag:$0x1] =	stream.indirect_vreg.gather [hbm4b:s1+s3], $0x80, v6, vm0, $0xb8;
	[tilespmem:$0xA480] =	vst v63  }
0x112: {  	_ = 	snop  }
0x113: {  	[tilespmem:s26], [sflag:$0x1] =	stream.indirect_vreg.gather [hbm4b:s1+s3], $0x80, v5, vm0, $0xb8;
	[tilespmem:$0xA480] =	vst v63  }
0x114: {  	v5 =	vld [tilespmem:$0x170];
	_ =	sdelay $0x4  }
0x115: {  	v6 =	vshll.u32 v5, $0x1  }
0x116: {  	v5 =	vand.u32 $0x7, v5;
	v6 =	vand.u32 $0xFFFFFFF0, v6  }
0x117: {  	v5 =	vor.u32 v5, v6  }
0x118: {  	v6 =	vperm.xlane v5, v2;
	_ =	sdelay $0x1  }
0x119: {  	v5 =	vperm.xlane v5, v4;
	v6 =	vadd.s32 v3, v6;
	_ =	sdelay $0x1  }
0x11a: {  	v5 =	vadd.s32 v3, v5;
	_ =	sdelay $0x2  }
0x11b: {  	[tilespmem:s28], [sflag:$0x1] =	stream.indirect_vreg.gather [hbm4b:s1+s3], $0x80, v6, vm0, $0xb8;
	[tilespmem:$0xA480] =	vst v63  }
0x11c: {  	_ = 	snop  }
0x11d: {  	[tilespmem:s29], [sflag:$0x1] =	stream.indirect_vreg.gather [hbm4b:s1+s3], $0x80, v5, vm0, $0xb8;
	[tilespmem:$0xA480] =	vst v63  }
0x11e: {  	_ =	swait.ge [sflag:s30], $0x8000  }
0x11f: {  	[sflag:s30] =	ssyncset.done $0x0  }
0x120: {  	s6 =	rddreg [dreg:$0x7];
	[sflag:s30] =	ssyncadd.s32 $0xFFFF8000  }
0x121: {  	[hbm4b:s6+s3] =	stream.linear.scatter [tilespmem:s13], [sflag:$0x2], $0x8000, $0x38;
	[tilespmem:$0xA480] =	vst v63  }
0x122: {  	_ =	swait.ge [sflag:s11], $0x8000  }
0x123: {  	[sflag:s11] =	ssyncset.done $0x0  }
0x124: {  	s7 =	simm.s32 $0x100;
	[sflag:s11] =	ssyncadd.s32 $0xFFFF8000  }
0x125: {  	[spmem:s2] =	stream.indirect.scatter.add.f32 [tilespmem:s0], [sflag:$0x2], $0x1, s7, s31, $0xb8;
	[tilespmem:$0xA480] =	vst v63  }
0x126: {  	_ =	swait.ge [sflag:s11], $0x80  }
0x127: {  	[sflag:s11] =	ssyncset.done $0x0  }
0x128: {  	[sflag:s11] =	ssyncadd.s32 $0xFFFFFF80  }
0x129: {  	v5 =	vld [tilespmem:$0x180];
	_ =	sdelay $0x4  }
0x12a: {  	v6 =	vshll.u32 v5, $0x1  }
0x12b: {  	v5 =	vand.u32 $0x7, v5;
	v6 =	vand.u32 $0xFFFFFFF0, v6  }
0x12c: {  	v5 =	vor.u32 v5, v6  }
0x12d: {  	v6 =	vperm.xlane v5, v2;
	_ =	sdelay $0x1  }
0x12e: {  	v5 =	vperm.xlane v5, v4;
	v6 =	vadd.s32 v3, v6;
	_ =	sdelay $0x1  }
0x12f: {  	v5 =	vadd.s32 v3, v5;
	_ =	sdelay $0x2  }
0x130: {  	[tilespmem:s13], [sflag:$0x1] =	stream.indirect_vreg.gather [hbm4b:s1+s3], $0x80, v6, vm0, $0xb8;
	[tilespmem:$0xA480] =	vst v63  }
0x131: {  	_ = 	snop  }
0x132: {  	[tilespmem:s14], [sflag:$0x1] =	stream.indirect_vreg.gather [hbm4b:s1+s3], $0x80, v5, vm0, $0xb8;
	[tilespmem:$0xA480] =	vst v63  }
0x133: {  	v5 =	vld [tilespmem:$0x190];
	_ =	sdelay $0x4  }
0x134: {  	v6 =	vshll.u32 v5, $0x1  }
0x135: {  	v5 =	vand.u32 $0x7, v5;
	v6 =	vand.u32 $0xFFFFFFF0, v6  }
0x136: {  	v5 =	vor.u32 v5, v6  }
0x137: {  	v6 =	vperm.xlane v5, v2;
	_ =	sdelay $0x1  }
0x138: {  	v5 =	vperm.xlane v5, v4;
	v6 =	vadd.s32 v3, v6;
	_ =	sdelay $0x1  }
0x139: {  	v5 =	vadd.s32 v3, v5;
	_ =	sdelay $0x2  }
0x13a: {  	[tilespmem:s15], [sflag:$0x1] =	stream.indirect_vreg.gather [hbm4b:s1+s3], $0x80, v6, vm0, $0xb8;
	[tilespmem:$0xA480] =	vst v63  }
0x13b: {  	_ = 	snop  }
0x13c: {  	[tilespmem:s16], [sflag:$0x1] =	stream.indirect_vreg.gather [hbm4b:s1+s3], $0x80, v5, vm0, $0xb8;
	[tilespmem:$0xA480] =	vst v63  }
0x13d: {  	v5 =	vld [tilespmem:$0x1A0];
	_ =	sdelay $0x4  }
0x13e: {  	v6 =	vshll.u32 v5, $0x1  }
0x13f: {  	v5 =	vand.u32 $0x7, v5;
	v6 =	vand.u32 $0xFFFFFFF0, v6  }
0x140: {  	v5 =	vor.u32 v5, v6  }
0x141: {  	v6 =	vperm.xlane v5, v2;
	_ =	sdelay $0x1  }
0x142: {  	v5 =	vperm.xlane v5, v4;
	v6 =	vadd.s32 v3, v6;
	_ =	sdelay $0x1  }
0x143: {  	v5 =	vadd.s32 v3, v5;
	_ =	sdelay $0x2  }
0x144: {  	[tilespmem:s17], [sflag:$0x1] =	stream.indirect_vreg.gather [hbm4b:s1+s3], $0x80, v6, vm0, $0xb8;
	[tilespmem:$0xA480] =	vst v63  }
0x145: {  	_ = 	snop  }
0x146: {  	[tilespmem:s18], [sflag:$0x1] =	stream.indirect_vreg.gather [hbm4b:s1+s3], $0x80, v5, vm0, $0xb8;
	[tilespmem:$0xA480] =	vst v63  }
0x147: {  	v5 =	vld [tilespmem:$0x1B0];
	_ =	sdelay $0x4  }
0x148: {  	v6 =	vshll.u32 v5, $0x1  }
0x149: {  	v5 =	vand.u32 $0x7, v5;
	v6 =	vand.u32 $0xFFFFFFF0, v6  }
0x14a: {  	v5 =	vor.u32 v5, v6  }
0x14b: {  	v6 =	vperm.xlane v5, v2;
	_ =	sdelay $0x1  }
0x14c: {  	v5 =	vperm.xlane v5, v4;
	v6 =	vadd.s32 v3, v6;
	_ =	sdelay $0x1  }
0x14d: {  	v5 =	vadd.s32 v3, v5;
	_ =	sdelay $0x2  }
0x14e: {  	[tilespmem:s19], [sflag:$0x1] =	stream.indirect_vreg.gather [hbm4b:s1+s3], $0x80, v6, vm0, $0xb8;
	[tilespmem:$0xA480] =	vst v63  }
0x14f: {  	_ = 	snop  }
0x150: {  	[tilespmem:s20], [sflag:$0x1] =	stream.indirect_vreg.gather [hbm4b:s1+s3], $0x80, v5, vm0, $0xb8;
	[tilespmem:$0xA480] =	vst v63  }
0x151: {  	v5 =	vld [tilespmem:$0x1C0];
	_ =	sdelay $0x4  }
0x152: {  	v6 =	vshll.u32 v5, $0x1  }
0x153: {  	v5 =	vand.u32 $0x7, v5;
	v6 =	vand.u32 $0xFFFFFFF0, v6  }
0x154: {  	v5 =	vor.u32 v5, v6  }
0x155: {  	v6 =	vperm.xlane v5, v2;
	_ =	sdelay $0x1  }
0x156: {  	v5 =	vperm.xlane v5, v4;
	v6 =	vadd.s32 v3, v6;
	_ =	sdelay $0x1  }
0x157: {  	v5 =	vadd.s32 v3, v5;
	_ =	sdelay $0x2  }
0x158: {  	[tilespmem:s21], [sflag:$0x1] =	stream.indirect_vreg.gather [hbm4b:s1+s3], $0x80, v6, vm0, $0xb8;
	[tilespmem:$0xA480] =	vst v63  }
0x159: {  	_ = 	snop  }
0x15a: {  	[tilespmem:s22], [sflag:$0x1] =	stream.indirect_vreg.gather [hbm4b:s1+s3], $0x80, v5, vm0, $0xb8;
	[tilespmem:$0xA480] =	vst v63  }
0x15b: {  	v5 =	vld [tilespmem:$0x1D0];
	_ =	sdelay $0x4  }
0x15c: {  	v6 =	vshll.u32 v5, $0x1  }
0x15d: {  	v5 =	vand.u32 $0x7, v5;
	v6 =	vand.u32 $0xFFFFFFF0, v6  }
0x15e: {  	v5 =	vor.u32 v5, v6  }
0x15f: {  	v6 =	vperm.xlane v5, v2;
	_ =	sdelay $0x1  }
0x160: {  	v5 =	vperm.xlane v5, v4;
	v6 =	vadd.s32 v3, v6;
	_ =	sdelay $0x1  }
0x161: {  	v5 =	vadd.s32 v3, v5;
	_ =	sdelay $0x2  }
0x162: {  	[tilespmem:s23], [sflag:$0x1] =	stream.indirect_vreg.gather [hbm4b:s1+s3], $0x80, v6, vm0, $0xb8;
	[tilespmem:$0xA480] =	vst v63  }
0x163: {  	_ = 	snop  }
0x164: {  	[tilespmem:s24], [sflag:$0x1] =	stream.indirect_vreg.gather [hbm4b:s1+s3], $0x80, v5, vm0, $0xb8;
	[tilespmem:$0xA480] =	vst v63  }
0x165: {  	v5 =	vld [tilespmem:$0x1E0];
	_ =	sdelay $0x4  }
0x166: {  	v6 =	vshll.u32 v5, $0x1  }
0x167: {  	v5 =	vand.u32 $0x7, v5;
	v6 =	vand.u32 $0xFFFFFFF0, v6  }
0x168: {  	v5 =	vor.u32 v5, v6  }
0x169: {  	v6 =	vperm.xlane v5, v2;
	_ =	sdelay $0x1  }
0x16a: {  	v5 =	vperm.xlane v5, v4;
	v6 =	vadd.s32 v3, v6;
	_ =	sdelay $0x1  }
0x16b: {  	v5 =	vadd.s32 v3, v5;
	_ =	sdelay $0x2  }
0x16c: {  	[tilespmem:s25], [sflag:$0x1] =	stream.indirect_vreg.gather [hbm4b:s1+s3], $0x80, v6, vm0, $0xb8;
	[tilespmem:$0xA480] =	vst v63  }
0x16d: {  	_ = 	snop  }
0x16e: {  	[tilespmem:s26], [sflag:$0x1] =	stream.indirect_vreg.gather [hbm4b:s1+s3], $0x80, v5, vm0, $0xb8;
	[tilespmem:$0xA480] =	vst v63  }
0x16f: {  	v5 =	vld [tilespmem:$0x1F0];
	_ =	sdelay $0x4  }
0x170: {  	v6 =	vshll.u32 v5, $0x1  }
0x171: {  	v5 =	vand.u32 $0x7, v5;
	v6 =	vand.u32 $0xFFFFFFF0, v6  }
0x172: {  	v5 =	vor.u32 v5, v6  }
0x173: {  	v6 =	vperm.xlane v5, v2;
	_ =	sdelay $0x1  }
0x174: {  	v5 =	vperm.xlane v5, v4;
	v6 =	vadd.s32 v3, v6;
	_ =	sdelay $0x1  }
0x175: {  	v5 =	vadd.s32 v3, v5;
	_ =	sdelay $0x2  }
0x176: {  	[tilespmem:s28], [sflag:$0x1] =	stream.indirect_vreg.gather [hbm4b:s1+s3], $0x80, v6, vm0, $0xb8;
	[tilespmem:$0xA480] =	vst v63  }
0x177: {  	_ = 	snop  }
0x178: {  	[tilespmem:s29], [sflag:$0x1] =	stream.indirect_vreg.gather [hbm4b:s1+s3], $0x80, v5, vm0, $0xb8;
	[tilespmem:$0xA480] =	vst v63  }
0x179: {  	_ =	swait.ge [sflag:s30], $0x8000  }
0x17a: {  	[sflag:s30] =	ssyncset.done $0x0  }
0x17b: {  	s8 =	rddreg [dreg:$0x8];
	[sflag:s30] =	ssyncadd.s32 $0xFFFF8000  }
0x17c: {  	[hbm4b:s8+s3] =	stream.linear.scatter [tilespmem:s13], [sflag:$0x2], $0x8000, $0x38;
	[tilespmem:$0xA480] =	vst v63  }
0x17d: {  	_ =	swait.ge [sflag:s11], $0x8000  }
0x17e: {  	[sflag:s11] =	ssyncset.done $0x0  }
0x17f: {  	s9 =	simm.s32 $0x180;
	[sflag:s11] =	ssyncadd.s32 $0xFFFF8000  }
0x180: {  	[spmem:s2] =	stream.indirect.scatter.add.f32 [tilespmem:s0], [sflag:$0x2], $0x1, s9, s31, $0xb8;
	[tilespmem:$0xA480] =	vst v63  }
0x181: {  	_ =	swait.ge [sflag:s11], $0x80  }
0x182: {  	[sflag:s11] =	ssyncset.done $0x0  }
0x183: {  	s4 =	sshrl.u32 @!p0 s2, $0x3;
	[sflag:s11] =	ssyncadd.s32 $0xFFFFFF80  }
0x184: {  	s6 =	simm.s32 @!p0 $0x1;
	s7 =	simm.s32 @!p0 $0x20;
	[bflag:$0x0] =	sbarrier.arrive $0xFFFF  }
0x185: {  	s8 =	simm.s32 @!p0 $0x10;
	s9 =	simm.s32 @!p0 $0x1C02;
	s10 =	rddreg [dreg:$0x9]  }
0x186: {  	[hbm:s10@s7], [sflag:s9] =	dma.strided @!p0 [spmem:s4@s8], $0x400, s6, $0x10   }
0x187: {  	s4 =	simm.s32 @!p0 $0x2  }
0x188: {  	_ =	swait.ge @!p0 [sflag:s4], $0x400  }
0x189: {  	s12 =	sadd.s32 $0x1, s12;
	s10 =	rddreg [dreg:$0xa]  }
0x18a: {  	p1 =	sne.s32 s12, s10  }
.Ltmp1:
0x18b: {  	_ = 	snop;
	(pc) =	sbr.rel @!p1 .LBB2_6-.Ltmp1, $3  }
0x18c: {  	_ =	sdelay $0x1  }
0x18d: {  	[sflag:s4] =	ssyncset.done @!p0 $0x0  }
0x18e: {  	[sflag:s4] =	ssyncadd.s32 @!p0 $0xFFFFFC00  }
.LBB2_1:
0x18f: {  	s4 =	rddreg [dreg:$0x5]  }
0x190: {  	[tilespmem:s3], [sflag:$0x2] =	stream.linear.gather [hbm4b:s4+s3], $0x200, $0x38;
	[tilespmem:$0xA480] =	vst v63  }
0x191: {  	_ =	swait.ge [sflag:s11], $0x200  }
0x192: {  	[sflag:s11] =	ssyncset.done $0x0  }
0x193: {  	[sflag:s11] =	ssyncadd.s32 $0xFFFFFE00  }
0x194: {  	[tilespmem:$0x8200] =	vst v0  }
0x195: {  	[tilespmem:$0x8210] =	vst v0  }
0x196: {  	[tilespmem:$0x8220] =	vst v0  }
.Ltmp2:
0x197: {  	[tilespmem:$0x8230] =	vst v0;
	(pc) =	sbr.rel @p0 .LBB2_5-.Ltmp2, $4  }
0x198: {  	[tilespmem:$0x8240] =	vst v0  }
0x199: {  	[tilespmem:$0x8250] =	vst v0  }
0x19a: {  	[tilespmem:$0x8260] =	vst v0  }
0x19b: {  	[tilespmem:$0x8270] =	vst v0  }
0x19c: {  	s4 =	simm.s32 $0x40;
	s6 =	simm.s32 $0x0  }
.LBB2_3:
0x19d: {  	p1 =	sne.s32 s4, $0x7FC0;
	[tilespmem:s6+$0x8280] =	vst v1;
	s6 =	smov.u32 s4;
	s4 =	sadd.s32 $0x40, s4  }
.Ltmp3:
0x19e: {  	(pc) =	sbr.rel @p1 .LBB2_3-.Ltmp3, $2  }
0x19f: {  	_ =	sdelay $0x2  }
0x1a0: {  	s6 =	sshra.s32 s6, $0x2  }
.Ltmp4:
0x1a1: {  	[tilespmem:s6+$0x8280] =	vst v1;
	s4 =	simm.s32 $0x8280;
	(pc) =	sbr.rel .LBB2_5-.Ltmp4, $4  }
0x1a2: {  	[spmem:s2] =	stream.linear.scatter [tilespmem:s4], [sflag:$0x2], $0x2000, $0x38;
	[tilespmem:$0xA480] =	vst v63  }
0x1a3: {  	_ =	swait.ge [sflag:s11], $0x2000  }
0x1a4: {  	[sflag:s11] =	ssyncset.done $0x0  }
0x1a5: {  	[sflag:s11] =	ssyncadd.s32 $0xFFFFE000  }
.LBB2_6:
0x1a6: {  	_ =	sfence.sel $0x180000  }
0x1a7: {  	[bflag:$0x0] =	sbarrier.arrive $0xFFFF  }
0x1a8: {  	_ =	strace $0x90000047  }
0x1a9: {  	[bflag:$0x2] =	sbarrier.arrive $0xFFFF  }
0x1aa: {  	s0 =	rddreg [dreg:$0x4]  }
0x1ab: {  	s0 =	sadd.s32 @!p0 $0x100000, s0  }
0x1ac: {  	[sflag:s0] =	ssyncadd.tile.s32 @!p0 $0x1;
	_ =	shalt  }
.Lfunc_end2:
_tile_overlayer_lowered:
.L_overlay_start_2:
0x1ad: {  	(tag) =	ssettag $0x2  }
0x1ae: {  	s0 =	rddreg [dreg:$0x0];
	s2 =	stileid.u32  }
0x1af: {  	s1 =	rddreg [dreg:$0x1];
	p0 =	sne.s32 s2, $0x0  }
0x1b0: {  	s3 =	rddreg [dreg:$0x2];
	[bflag:$0x3] =	sbarrier.arrive $0xFFFF;
	s2 =	simm.s32 @!p0 $0x1C02  }
0x1b1: {  	[timem:s3], [sflag:s2] =	dma.local @!p0 [hbm:s0], s1  }
0x1b2: {  	s0 =	simm.s32 @!p0 $0x2  }
0x1b3: {  	_ =	swait.ge @!p0 [sflag:s0], s1  }
0x1b4: {  	s1 =	ssub.s32 @!p0 $0x0, s1;
	[sflag:s0] =	ssyncset.done @!p0 $0x0  }
0x1b5: {  	[sflag:s0] =	ssyncadd.s32 @!p0 s1  }
0x1b6: {  	[bflag:$0x3] =	sbarrier.arrive $0xFFFF  }
0x1b7: {  	_ =	shalt  }

</sc_bundles>
